<compile_context>
chip_gen: v7x
topology: tpu7x:2x2x1
jax: 0.10.2.dev20260603
libtpu: 0.0.44.dev20260713+nightly
codegen_flags: <defaults>
</compile_context>

<pallas_src>
import jax
import jax.numpy as jnp
from jax import lax
from jax.experimental import pallas as pl
from jax.experimental.pallas import tpu as pltpu
from jax.experimental.pallas import tpu_sc as plsc

BATCH = 4096
FIELDS = 26
DIM = 16
DP1 = DIM + 1
NW = 32
BPW = BATCH // NW
NG = BPW // 16
VOCAB = 1000000
LPB = 8192
RPB = 7 * LPB
NBLK = -(-VOCAB // RPB)
PACKED_LINES = NBLK * LPB
GROWS = PACKED_LINES * 8


def _relayout_body(t_ref, out_ref):
    x = t_ref[...]
    y = jnp.concatenate(
        [lax.slice(x, (0, LPB * k), (DP1, LPB * (k + 1))) for k in range(7)],
        axis=0)
    yt = jnp.transpose(y, (1, 0))
    out_ref[:, pl.ds(0, 7 * DP1)] = yt


def _relayout(table_t):
    return pl.pallas_call(
        _relayout_body,
        grid=(NBLK,),
        in_specs=[pl.BlockSpec((DP1, RPB), lambda i: (0, i))],
        out_specs=pl.BlockSpec((LPB, 128), lambda i: (i, 0)),
        out_shape=jax.ShapeDtypeStruct((PACKED_LINES, 128), jnp.float32),
    )(table_t)


def _split_rpk(rv):
    q = rv >> 13
    i_b = (q * 9363) >> 16
    k_b = q - i_b * 7
    p_b = rv & 8191
    return i_b, k_b, p_b


def _fm_body(g16_hbm, idx_hbm, out_hbm,
             idx_v, g0f, g1f, win_all, out_v, sem):
    wid = lax.axis_index("s") * 2 + lax.axis_index("c")
    zeros16 = jnp.zeros((16,), jnp.float32)
    iota = lax.iota(jnp.int32, 16)
    zerov = jnp.zeros((16,), jnp.int32)

    pltpu.sync_copy(idx_hbm.at[pl.ds(wid * BPW, BPW)], idx_v)

    def stage_fire(j, c):
        jv = zerov + j
        for g in range(NG):
            rv = plsc.load_gather(idx_v, [g * 16 + iota, jv])
            i_b, k_b, p_b = _split_rpk(rv)
            g0 = (i_b << 16) + (p_b << 3) + k_b
            g0f[pl.ds(j * BPW + g * 16, 16)] = g0
            g1f[pl.ds(j * BPW + g * 16, 16)] = g0 + 1
        pltpu.async_copy(g16_hbm.at[g0f.at[pl.ds(j * BPW, BPW)]],
                         win_all.at[j, 0], sem)
        pltpu.async_copy(g16_hbm.at[g1f.at[pl.ds(j * BPW, BPW)]],
                         win_all.at[j, 1], sem)
        return c

    lax.fori_loop(0, FIELDS, stage_fire, 0)

    def drain(j, c):
        pltpu.make_async_copy(g16_hbm.at[g0f.at[pl.ds(j * BPW, BPW)]],
                              win_all.at[j, 0], sem).wait()
        pltpu.make_async_copy(g16_hbm.at[g1f.at[pl.ds(j * BPW, BPW)]],
                              win_all.at[j, 1], sem).wait()
        return c

    lax.fori_loop(0, FIELDS, drain, 0)

    def bg_body(bg, c):
        bvec = bg * 16 + iota

        def jbody(j, carry):
            jv = zerov + j
            rv = plsc.load_gather(idx_v, [bvec, jv])
            _, k_b, _ = _split_rpk(rv)
            vs = []
            out = []
            for d in range(DP1):
                d0 = k_b + d
                half = d0 >> 4
                pos = d0 & 15
                v = plsc.load_gather(win_all, [jv, half, bvec, pos])
                vs.append(v)
                out.append(carry[d] + v)
            for d in range(DIM):
                out.append(carry[DP1 + d] + vs[d] * vs[d])
            return tuple(out)

        init = tuple(zeros16 for _ in range(DP1 + DIM))
        acc = lax.fori_loop(0, FIELDS, jbody, init)

        plsc.store_scatter(out_v, [bvec, zerov], acc[DIM])
        for d in range(DIM):
            s = acc[d]
            val = 0.5 * (s * s - acc[DP1 + d])
            plsc.store_scatter(out_v, [bvec, zerov + (d + 1)], val)
        return c

    lax.fori_loop(0, NG, bg_body, 0)

    pltpu.sync_copy(out_v, out_hbm.at[pl.ds(wid * BPW, BPW)])


def kernel(inputs, kernel):
    packed = _relayout(kernel.T)
    g16 = packed.reshape(GROWS, 16)
    mesh = plsc.VectorSubcoreMesh(core_axis_name="c", subcore_axis_name="s")
    return pl.kernel(
        _fm_body,
        mesh=mesh,
        compiler_params=pltpu.CompilerParams(
            needs_layout_passes=False, use_tc_tiling_on_sc=False
        ),
        out_type=jax.ShapeDtypeStruct((BATCH, DP1), jnp.float32),
        scratch_types=[
            pltpu.VMEM((BPW, FIELDS), jnp.int32),
            pltpu.VMEM((FIELDS * BPW,), jnp.int32),
            pltpu.VMEM((FIELDS * BPW,), jnp.int32),
            pltpu.VMEM((FIELDS, 2, BPW, 16), jnp.float32),
            pltpu.VMEM((BPW, DP1), jnp.float32),
            pltpu.SemaphoreType.DMA,
        ],
    )(g16, inputs)

# --- scband reference (transcript-rebuilt; emitter-appended) ---
"""Pipeline reference for scband-fm-layer-14594298871894 (READ-ONLY COPY).

The authoritative reference and input builder live on the scoring server;
editing this copy changes nothing except your own understanding.
"""

import jax, jax.numpy as jnp
import numpy as np

FEATURE_NUM = 1000000
OUTPUT_DIM = 16
BATCH = 4096
FIELDS = 26

def setup_inputs(seed: int = 0) -> dict:
    key = jax.random.key(seed)
    k1, k2 = jax.random.split(key)
    inputs = jax.random.randint(k1, (BATCH, FIELDS), 0, FEATURE_NUM, dtype=jnp.int64 if jax.config.jax_enable_x64 else jnp.int32).astype(jnp.int32)
    # glorot_normal init for kernel [feature_num, output_dim + 1]
    fan_in, fan_out = FEATURE_NUM, OUTPUT_DIM + 1
    std = float(np.sqrt(2.0 / (fan_in + fan_out)))
    kernel = jax.random.normal(k2, (FEATURE_NUM, OUTPUT_DIM + 1), dtype=jnp.float32) * std
    return {"inputs": inputs, "kernel": kernel}

def reference(inputs, kernel):
    # embedding lookup: [B, F, D+1]
    embedding = jnp.take(kernel, inputs, axis=0)
    # first order: last column of embedding, summed over fields -> [B, 1]
    linear = jnp.sum(embedding[:, :, -1], axis=-1)
    first_order = jnp.expand_dims(linear, axis=1)
    # second order: FM interaction on first D dims
    emb2 = embedding[:, :, : kernel.shape[-1] - 1]
    sum_embedding = jnp.sum(emb2, axis=1)
    sum_square = jnp.square(sum_embedding)
    squared = jnp.square(emb2)
    square_sum = jnp.sum(squared, axis=1)
    second_order = 0.5 * (sum_square - square_sum)
    concat_order = jnp.concatenate([first_order, second_order], axis=-1)
    return concat_order

if __name__ == "__main__":
    import jax
    _d = setup_inputs()
    print(jax.jit(kernel)(*tuple(_d.values())))

</pallas_src>

<mosaic_0001>
#map = affine_map<(d0, d1) -> (0, 0)>
module attributes {stable_mosaic.version = 14 : i64} {
  func.func @_fm_body(%arg0: i32, %arg1: i32, %arg2: memref<1179648x16xf32, #tpu.memory_space<hbm>>, %arg3: memref<4096x26xi32, #tpu.memory_space<hbm>>, %arg4: memref<4096x17xf32, #tpu.memory_space<hbm>>, %arg5: memref<128x26xi32, #tpu.memory_space<vmem>>, %arg6: memref<3328xi32, #tpu.memory_space<vmem>>, %arg7: memref<3328xi32, #tpu.memory_space<vmem>>, %arg8: memref<26x2x128x16xf32, #tpu.memory_space<vmem>>, %arg9: memref<128x17xf32, #tpu.memory_space<vmem>>, %arg10: memref<!tpu.dma_semaphore, #tpu.memory_space<semaphore_mem>>) attributes {dimension_semantics = [#tpu.dimension_semantics<core_parallel>, #tpu.dimension_semantics<subcore_parallel>], iteration_bounds = array<i64: 2, 16>, scalar_prefetch = 0 : i64, scratch_operands = 6 : i64, tpu.core_type = #tpu.core_type<sc_vector_subcore>, window_params = [{transform_indices = #map}, {transform_indices = #map}, {transform_indices = #map}]} {
    %mul3A = arith.constant 2 : i32
    %mul3A_0 = arith.muli %arg1, %mul3A : i32
    %add3A = arith.addi %mul3A_0, %arg0 : i32
    %broadcast_in_dim3A = arith.constant 0.000000e+00 : f32
    %broadcast_in_dim3A_1 = vector.broadcast %broadcast_in_dim3A : f32 to vector<16xf32>
    %iota3A = tpu.iota {dimensions = array<i32: 0>} : vector<16xi32>
    %broadcast_in_dim3A_2 = arith.constant 0 : i32
    %broadcast_in_dim3A_3 = vector.broadcast %broadcast_in_dim3A_2 : i32 to vector<16xi32>
    %mul3A_4 = arith.constant 128 : i32
    %mul3A_5 = arith.muli %add3A, %mul3A_4 : i32
    "tpu.region"() ({
      %run_scoped3A = tpu.sem_alloc : memref<!tpu.dma_semaphore, #tpu.memory_space<semaphore_mem>>
      %dma_start3A = arith.constant 0 : i32
      %dma_start3A_25 = tpu.memref_slice %arg3[%mul3A_5, %dma_start3A] : memref<4096x26xi32, #tpu.memory_space<hbm>> -> memref<128x26xi32, #tpu.memory_space<hbm>>
      %dma_start3A_26 = arith.constant 0 : i32
      %dma_start3A_27 = tpu.memref_slice %arg3[%mul3A_5, %dma_start3A_26] : memref<4096x26xi32, #tpu.memory_space<hbm>> -> memref<128x26xi32, #tpu.memory_space<hbm>>
      tpu.enqueue_dma source(%dma_start3A_27 : memref<128x26xi32, #tpu.memory_space<hbm>>) target(%arg5 : memref<128x26xi32, #tpu.memory_space<vmem>>) target_semaphore(%run_scoped3A : memref<!tpu.dma_semaphore, #tpu.memory_space<semaphore_mem>>)
      %dma_wait3A = arith.constant 0 : i32
      %dma_wait3A_28 = tpu.memref_slice %arg3[%mul3A_5, %dma_wait3A] : memref<4096x26xi32, #tpu.memory_space<hbm>> -> memref<128x26xi32, #tpu.memory_space<hbm>>
      %dma_wait3A_29 = arith.constant 0 : i32
      %dma_wait3A_30 = tpu.memref_slice %arg3[%mul3A_5, %dma_wait3A_29] : memref<4096x26xi32, #tpu.memory_space<hbm>> -> memref<128x26xi32, #tpu.memory_space<hbm>>
      tpu.wait_dma2 semaphore(%run_scoped3A : memref<!tpu.dma_semaphore, #tpu.memory_space<semaphore_mem>>) src(%dma_wait3A_30 : memref<128x26xi32, #tpu.memory_space<hbm>>) dst(%arg5 : memref<128x26xi32, #tpu.memory_space<vmem>>)
      tpu.yield
    }) : () -> ()
    %scan3A = arith.constant 0 : i32
    %scan3A_6 = arith.constant 0 : i32
    %scan3A_7 = arith.constant 26 : i32
    %scan3A_8 = arith.addi %scan3A_6, %scan3A_7 : i32
    %scan3A_9 = arith.constant 1 : i32
    scf.for %scan3A_25 = %scan3A_6 to %scan3A_8 step %scan3A_9  : i32 {
      %add3A_26 = vector.broadcast %scan3A_25 : i32 to vector<16xi32>
      %add3A_27 = arith.addi %broadcast_in_dim3A_3, %add3A_26 : vector<16xi32>
      %add3A_28 = arith.constant 0 : i32
      %add3A_29 = vector.broadcast %add3A_28 : i32 to vector<16xi32>
      %add3A_30 = arith.addi %add3A_29, %iota3A : vector<16xi32>
      %gather3A = tpu.vector_load_idx %arg5[%add3A_30, %add3A_27] : memref<128x26xi32, #tpu.memory_space<vmem>>[vector<16xi32>, vector<16xi32>], vector<16xi32>,
      %shift_right_arithmetic3A = arith.constant 13 : i32
      %shift_right_arithmetic3A_31 = vector.broadcast %shift_right_arithmetic3A : i32 to vector<16xi32>
      %shift_right_arithmetic3A_32 = arith.shrsi %gather3A, %shift_right_arithmetic3A_31 : vector<16xi32>
      %mul3A_33 = arith.constant 9363 : i32
      %mul3A_34 = vector.broadcast %mul3A_33 : i32 to vector<16xi32>
      %mul3A_35 = arith.muli %shift_right_arithmetic3A_32, %mul3A_34 : vector<16xi32>
      %shift_right_arithmetic3A_36 = arith.constant 16 : i32
      %shift_right_arithmetic3A_37 = vector.broadcast %shift_right_arithmetic3A_36 : i32 to vector<16xi32>
      %shift_right_arithmetic3A_38 = arith.shrsi %mul3A_35, %shift_right_arithmetic3A_37 : vector<16xi32>
      %mul3A_39 = arith.constant 7 : i32
      %mul3A_40 = vector.broadcast %mul3A_39 : i32 to vector<16xi32>
      %mul3A_41 = arith.muli %shift_right_arithmetic3A_38, %mul3A_40 : vector<16xi32>
      %sub3A = arith.subi %shift_right_arithmetic3A_32, %mul3A_41 : vector<16xi32>
      %and3A = arith.constant 8191 : i32
      %and3A_42 = vector.broadcast %and3A : i32 to vector<16xi32>
      %and3A_43 = arith.andi %gather3A, %and3A_42 : vector<16xi32>
      %shift_left3A = arith.constant 16 : i32
      %shift_left3A_44 = vector.broadcast %shift_left3A : i32 to vector<16xi32>
      %shift_left3A_45 = arith.shli %shift_right_arithmetic3A_38, %shift_left3A_44 : vector<16xi32>
      %shift_left3A_46 = arith.constant 3 : i32
      %shift_left3A_47 = vector.broadcast %shift_left3A_46 : i32 to vector<16xi32>
      %shift_left3A_48 = arith.shli %and3A_43, %shift_left3A_47 : vector<16xi32>
      %add3A_49 = arith.addi %shift_left3A_45, %shift_left3A_48 : vector<16xi32>
      %add3A_50 = arith.addi %add3A_49, %sub3A : vector<16xi32>
      %mul3A_51 = arith.constant 128 : i32
      %mul3A_52 = arith.muli %scan3A_25, %mul3A_51 : i32
      %add3A_53 = arith.constant 0 : i32
      %add3A_54 = arith.addi %mul3A_52, %add3A_53 : i32
      %swap3A = arith.index_cast %add3A_54 : i32 to index
      %swap3A_55 = tpu.vector_load %arg6[%swap3A] {strides = array<i32>} : memref<3328xi32, #tpu.memory_space<vmem>>, vector<16xi32>,
      tpu.vector_store %arg6[%swap3A], %add3A_50 {strides = array<i32>} : memref<3328xi32, #tpu.memory_space<vmem>>, vector<16xi32>,
      %add3A_56 = arith.constant 1 : i32
      %add3A_57 = vector.broadcast %add3A_56 : i32 to vector<16xi32>
      %add3A_58 = arith.addi %add3A_50, %add3A_57 : vector<16xi32>
      %mul3A_59 = arith.constant 128 : i32
      %mul3A_60 = arith.muli %scan3A_25, %mul3A_59 : i32
      %add3A_61 = arith.constant 0 : i32
      %add3A_62 = arith.addi %mul3A_60, %add3A_61 : i32
      %swap3A_63 = arith.index_cast %add3A_62 : i32 to index
      %swap3A_64 = tpu.vector_load %arg7[%swap3A_63] {strides = array<i32>} : memref<3328xi32, #tpu.memory_space<vmem>>, vector<16xi32>,
      tpu.vector_store %arg7[%swap3A_63], %add3A_58 {strides = array<i32>} : memref<3328xi32, #tpu.memory_space<vmem>>, vector<16xi32>,
      %add3A_65 = arith.constant 16 : i32
      %add3A_66 = vector.broadcast %add3A_65 : i32 to vector<16xi32>
      %add3A_67 = arith.addi %add3A_66, %iota3A : vector<16xi32>
      %gather3A_68 = tpu.vector_load_idx %arg5[%add3A_67, %add3A_27] : memref<128x26xi32, #tpu.memory_space<vmem>>[vector<16xi32>, vector<16xi32>], vector<16xi32>,
      %shift_right_arithmetic3A_69 = arith.constant 13 : i32
      %shift_right_arithmetic3A_70 = vector.broadcast %shift_right_arithmetic3A_69 : i32 to vector<16xi32>
      %shift_right_arithmetic3A_71 = arith.shrsi %gather3A_68, %shift_right_arithmetic3A_70 : vector<16xi32>
      %mul3A_72 = arith.constant 9363 : i32
      %mul3A_73 = vector.broadcast %mul3A_72 : i32 to vector<16xi32>
      %mul3A_74 = arith.muli %shift_right_arithmetic3A_71, %mul3A_73 : vector<16xi32>
      %shift_right_arithmetic3A_75 = arith.constant 16 : i32
      %shift_right_arithmetic3A_76 = vector.broadcast %shift_right_arithmetic3A_75 : i32 to vector<16xi32>
      %shift_right_arithmetic3A_77 = arith.shrsi %mul3A_74, %shift_right_arithmetic3A_76 : vector<16xi32>
      %mul3A_78 = arith.constant 7 : i32
      %mul3A_79 = vector.broadcast %mul3A_78 : i32 to vector<16xi32>
      %mul3A_80 = arith.muli %shift_right_arithmetic3A_77, %mul3A_79 : vector<16xi32>
      %sub3A_81 = arith.subi %shift_right_arithmetic3A_71, %mul3A_80 : vector<16xi32>
      %and3A_82 = arith.constant 8191 : i32
      %and3A_83 = vector.broadcast %and3A_82 : i32 to vector<16xi32>
      %and3A_84 = arith.andi %gather3A_68, %and3A_83 : vector<16xi32>
      %shift_left3A_85 = arith.constant 16 : i32
      %shift_left3A_86 = vector.broadcast %shift_left3A_85 : i32 to vector<16xi32>
      %shift_left3A_87 = arith.shli %shift_right_arithmetic3A_77, %shift_left3A_86 : vector<16xi32>
      %shift_left3A_88 = arith.constant 3 : i32
      %shift_left3A_89 = vector.broadcast %shift_left3A_88 : i32 to vector<16xi32>
      %shift_left3A_90 = arith.shli %and3A_84, %shift_left3A_89 : vector<16xi32>
      %add3A_91 = arith.addi %shift_left3A_87, %shift_left3A_90 : vector<16xi32>
      %add3A_92 = arith.addi %add3A_91, %sub3A_81 : vector<16xi32>
      %mul3A_93 = arith.constant 128 : i32
      %mul3A_94 = arith.muli %scan3A_25, %mul3A_93 : i32
      %add3A_95 = arith.constant 16 : i32
      %add3A_96 = arith.addi %mul3A_94, %add3A_95 : i32
      %swap3A_97 = arith.index_cast %add3A_96 : i32 to index
      %swap3A_98 = tpu.vector_load %arg6[%swap3A_97] {strides = array<i32>} : memref<3328xi32, #tpu.memory_space<vmem>>, vector<16xi32>,
      tpu.vector_store %arg6[%swap3A_97], %add3A_92 {strides = array<i32>} : memref<3328xi32, #tpu.memory_space<vmem>>, vector<16xi32>,
      %add3A_99 = arith.constant 1 : i32
      %add3A_100 = vector.broadcast %add3A_99 : i32 to vector<16xi32>
      %add3A_101 = arith.addi %add3A_92, %add3A_100 : vector<16xi32>
      %mul3A_102 = arith.constant 128 : i32
      %mul3A_103 = arith.muli %scan3A_25, %mul3A_102 : i32
      %add3A_104 = arith.constant 16 : i32
      %add3A_105 = arith.addi %mul3A_103, %add3A_104 : i32
      %swap3A_106 = arith.index_cast %add3A_105 : i32 to index
      %swap3A_107 = tpu.vector_load %arg7[%swap3A_106] {strides = array<i32>} : memref<3328xi32, #tpu.memory_space<vmem>>, vector<16xi32>,
      tpu.vector_store %arg7[%swap3A_106], %add3A_101 {strides = array<i32>} : memref<3328xi32, #tpu.memory_space<vmem>>, vector<16xi32>,
      %add3A_108 = arith.constant 32 : i32
      %add3A_109 = vector.broadcast %add3A_108 : i32 to vector<16xi32>
      %add3A_110 = arith.addi %add3A_109, %iota3A : vector<16xi32>
      %gather3A_111 = tpu.vector_load_idx %arg5[%add3A_110, %add3A_27] : memref<128x26xi32, #tpu.memory_space<vmem>>[vector<16xi32>, vector<16xi32>], vector<16xi32>,
      %shift_right_arithmetic3A_112 = arith.constant 13 : i32
      %shift_right_arithmetic3A_113 = vector.broadcast %shift_right_arithmetic3A_112 : i32 to vector<16xi32>
      %shift_right_arithmetic3A_114 = arith.shrsi %gather3A_111, %shift_right_arithmetic3A_113 : vector<16xi32>
      %mul3A_115 = arith.constant 9363 : i32
      %mul3A_116 = vector.broadcast %mul3A_115 : i32 to vector<16xi32>
      %mul3A_117 = arith.muli %shift_right_arithmetic3A_114, %mul3A_116 : vector<16xi32>
      %shift_right_arithmetic3A_118 = arith.constant 16 : i32
      %shift_right_arithmetic3A_119 = vector.broadcast %shift_right_arithmetic3A_118 : i32 to vector<16xi32>
      %shift_right_arithmetic3A_120 = arith.shrsi %mul3A_117, %shift_right_arithmetic3A_119 : vector<16xi32>
      %mul3A_121 = arith.constant 7 : i32
      %mul3A_122 = vector.broadcast %mul3A_121 : i32 to vector<16xi32>
      %mul3A_123 = arith.muli %shift_right_arithmetic3A_120, %mul3A_122 : vector<16xi32>
      %sub3A_124 = arith.subi %shift_right_arithmetic3A_114, %mul3A_123 : vector<16xi32>
      %and3A_125 = arith.constant 8191 : i32
      %and3A_126 = vector.broadcast %and3A_125 : i32 to vector<16xi32>
      %and3A_127 = arith.andi %gather3A_111, %and3A_126 : vector<16xi32>
      %shift_left3A_128 = arith.constant 16 : i32
      %shift_left3A_129 = vector.broadcast %shift_left3A_128 : i32 to vector<16xi32>
      %shift_left3A_130 = arith.shli %shift_right_arithmetic3A_120, %shift_left3A_129 : vector<16xi32>
      %shift_left3A_131 = arith.constant 3 : i32
      %shift_left3A_132 = vector.broadcast %shift_left3A_131 : i32 to vector<16xi32>
      %shift_left3A_133 = arith.shli %and3A_127, %shift_left3A_132 : vector<16xi32>
      %add3A_134 = arith.addi %shift_left3A_130, %shift_left3A_133 : vector<16xi32>
      %add3A_135 = arith.addi %add3A_134, %sub3A_124 : vector<16xi32>
      %mul3A_136 = arith.constant 128 : i32
      %mul3A_137 = arith.muli %scan3A_25, %mul3A_136 : i32
      %add3A_138 = arith.constant 32 : i32
      %add3A_139 = arith.addi %mul3A_137, %add3A_138 : i32
      %swap3A_140 = arith.index_cast %add3A_139 : i32 to index
      %swap3A_141 = tpu.vector_load %arg6[%swap3A_140] {strides = array<i32>} : memref<3328xi32, #tpu.memory_space<vmem>>, vector<16xi32>,
      tpu.vector_store %arg6[%swap3A_140], %add3A_135 {strides = array<i32>} : memref<3328xi32, #tpu.memory_space<vmem>>, vector<16xi32>,
      %add3A_142 = arith.constant 1 : i32
      %add3A_143 = vector.broadcast %add3A_142 : i32 to vector<16xi32>
      %add3A_144 = arith.addi %add3A_135, %add3A_143 : vector<16xi32>
      %mul3A_145 = arith.constant 128 : i32
      %mul3A_146 = arith.muli %scan3A_25, %mul3A_145 : i32
      %add3A_147 = arith.constant 32 : i32
      %add3A_148 = arith.addi %mul3A_146, %add3A_147 : i32
      %swap3A_149 = arith.index_cast %add3A_148 : i32 to index
      %swap3A_150 = tpu.vector_load %arg7[%swap3A_149] {strides = array<i32>} : memref<3328xi32, #tpu.memory_space<vmem>>, vector<16xi32>,
      tpu.vector_store %arg7[%swap3A_149], %add3A_144 {strides = array<i32>} : memref<3328xi32, #tpu.memory_space<vmem>>, vector<16xi32>,
      %add3A_151 = arith.constant 48 : i32
      %add3A_152 = vector.broadcast %add3A_151 : i32 to vector<16xi32>
      %add3A_153 = arith.addi %add3A_152, %iota3A : vector<16xi32>
      %gather3A_154 = tpu.vector_load_idx %arg5[%add3A_153, %add3A_27] : memref<128x26xi32, #tpu.memory_space<vmem>>[vector<16xi32>, vector<16xi32>], vector<16xi32>,
      %shift_right_arithmetic3A_155 = arith.constant 13 : i32
      %shift_right_arithmetic3A_156 = vector.broadcast %shift_right_arithmetic3A_155 : i32 to vector<16xi32>
      %shift_right_arithmetic3A_157 = arith.shrsi %gather3A_154, %shift_right_arithmetic3A_156 : vector<16xi32>
      %mul3A_158 = arith.constant 9363 : i32
      %mul3A_159 = vector.broadcast %mul3A_158 : i32 to vector<16xi32>
      %mul3A_160 = arith.muli %shift_right_arithmetic3A_157, %mul3A_159 : vector<16xi32>
      %shift_right_arithmetic3A_161 = arith.constant 16 : i32
      %shift_right_arithmetic3A_162 = vector.broadcast %shift_right_arithmetic3A_161 : i32 to vector<16xi32>
      %shift_right_arithmetic3A_163 = arith.shrsi %mul3A_160, %shift_right_arithmetic3A_162 : vector<16xi32>
      %mul3A_164 = arith.constant 7 : i32
      %mul3A_165 = vector.broadcast %mul3A_164 : i32 to vector<16xi32>
      %mul3A_166 = arith.muli %shift_right_arithmetic3A_163, %mul3A_165 : vector<16xi32>
      %sub3A_167 = arith.subi %shift_right_arithmetic3A_157, %mul3A_166 : vector<16xi32>
      %and3A_168 = arith.constant 8191 : i32
      %and3A_169 = vector.broadcast %and3A_168 : i32 to vector<16xi32>
      %and3A_170 = arith.andi %gather3A_154, %and3A_169 : vector<16xi32>
      %shift_left3A_171 = arith.constant 16 : i32
      %shift_left3A_172 = vector.broadcast %shift_left3A_171 : i32 to vector<16xi32>
      %shift_left3A_173 = arith.shli %shift_right_arithmetic3A_163, %shift_left3A_172 : vector<16xi32>
      %shift_left3A_174 = arith.constant 3 : i32
      %shift_left3A_175 = vector.broadcast %shift_left3A_174 : i32 to vector<16xi32>
      %shift_left3A_176 = arith.shli %and3A_170, %shift_left3A_175 : vector<16xi32>
      %add3A_177 = arith.addi %shift_left3A_173, %shift_left3A_176 : vector<16xi32>
      %add3A_178 = arith.addi %add3A_177, %sub3A_167 : vector<16xi32>
      %mul3A_179 = arith.constant 128 : i32
      %mul3A_180 = arith.muli %scan3A_25, %mul3A_179 : i32
      %add3A_181 = arith.constant 48 : i32
      %add3A_182 = arith.addi %mul3A_180, %add3A_181 : i32
      %swap3A_183 = arith.index_cast %add3A_182 : i32 to index
      %swap3A_184 = tpu.vector_load %arg6[%swap3A_183] {strides = array<i32>} : memref<3328xi32, #tpu.memory_space<vmem>>, vector<16xi32>,
      tpu.vector_store %arg6[%swap3A_183], %add3A_178 {strides = array<i32>} : memref<3328xi32, #tpu.memory_space<vmem>>, vector<16xi32>,
      %add3A_185 = arith.constant 1 : i32
      %add3A_186 = vector.broadcast %add3A_185 : i32 to vector<16xi32>
      %add3A_187 = arith.addi %add3A_178, %add3A_186 : vector<16xi32>
      %mul3A_188 = arith.constant 128 : i32
      %mul3A_189 = arith.muli %scan3A_25, %mul3A_188 : i32
      %add3A_190 = arith.constant 48 : i32
      %add3A_191 = arith.addi %mul3A_189, %add3A_190 : i32
      %swap3A_192 = arith.index_cast %add3A_191 : i32 to index
      %swap3A_193 = tpu.vector_load %arg7[%swap3A_192] {strides = array<i32>} : memref<3328xi32, #tpu.memory_space<vmem>>, vector<16xi32>,
      tpu.vector_store %arg7[%swap3A_192], %add3A_187 {strides = array<i32>} : memref<3328xi32, #tpu.memory_space<vmem>>, vector<16xi32>,
      %add3A_194 = arith.constant 64 : i32
      %add3A_195 = vector.broadcast %add3A_194 : i32 to vector<16xi32>
      %add3A_196 = arith.addi %add3A_195, %iota3A : vector<16xi32>
      %gather3A_197 = tpu.vector_load_idx %arg5[%add3A_196, %add3A_27] : memref<128x26xi32, #tpu.memory_space<vmem>>[vector<16xi32>, vector<16xi32>], vector<16xi32>,
      %shift_right_arithmetic3A_198 = arith.constant 13 : i32
      %shift_right_arithmetic3A_199 = vector.broadcast %shift_right_arithmetic3A_198 : i32 to vector<16xi32>
      %shift_right_arithmetic3A_200 = arith.shrsi %gather3A_197, %shift_right_arithmetic3A_199 : vector<16xi32>
      %mul3A_201 = arith.constant 9363 : i32
      %mul3A_202 = vector.broadcast %mul3A_201 : i32 to vector<16xi32>
      %mul3A_203 = arith.muli %shift_right_arithmetic3A_200, %mul3A_202 : vector<16xi32>
      %shift_right_arithmetic3A_204 = arith.constant 16 : i32
      %shift_right_arithmetic3A_205 = vector.broadcast %shift_right_arithmetic3A_204 : i32 to vector<16xi32>
      %shift_right_arithmetic3A_206 = arith.shrsi %mul3A_203, %shift_right_arithmetic3A_205 : vector<16xi32>
      %mul3A_207 = arith.constant 7 : i32
      %mul3A_208 = vector.broadcast %mul3A_207 : i32 to vector<16xi32>
      %mul3A_209 = arith.muli %shift_right_arithmetic3A_206, %mul3A_208 : vector<16xi32>
      %sub3A_210 = arith.subi %shift_right_arithmetic3A_200, %mul3A_209 : vector<16xi32>
      %and3A_211 = arith.constant 8191 : i32
      %and3A_212 = vector.broadcast %and3A_211 : i32 to vector<16xi32>
      %and3A_213 = arith.andi %gather3A_197, %and3A_212 : vector<16xi32>
      %shift_left3A_214 = arith.constant 16 : i32
      %shift_left3A_215 = vector.broadcast %shift_left3A_214 : i32 to vector<16xi32>
      %shift_left3A_216 = arith.shli %shift_right_arithmetic3A_206, %shift_left3A_215 : vector<16xi32>
      %shift_left3A_217 = arith.constant 3 : i32
      %shift_left3A_218 = vector.broadcast %shift_left3A_217 : i32 to vector<16xi32>
      %shift_left3A_219 = arith.shli %and3A_213, %shift_left3A_218 : vector<16xi32>
      %add3A_220 = arith.addi %shift_left3A_216, %shift_left3A_219 : vector<16xi32>
      %add3A_221 = arith.addi %add3A_220, %sub3A_210 : vector<16xi32>
      %mul3A_222 = arith.constant 128 : i32
      %mul3A_223 = arith.muli %scan3A_25, %mul3A_222 : i32
      %add3A_224 = arith.constant 64 : i32
      %add3A_225 = arith.addi %mul3A_223, %add3A_224 : i32
      %swap3A_226 = arith.index_cast %add3A_225 : i32 to index
      %swap3A_227 = tpu.vector_load %arg6[%swap3A_226] {strides = array<i32>} : memref<3328xi32, #tpu.memory_space<vmem>>, vector<16xi32>,
      tpu.vector_store %arg6[%swap3A_226], %add3A_221 {strides = array<i32>} : memref<3328xi32, #tpu.memory_space<vmem>>, vector<16xi32>,
      %add3A_228 = arith.constant 1 : i32
      %add3A_229 = vector.broadcast %add3A_228 : i32 to vector<16xi32>
      %add3A_230 = arith.addi %add3A_221, %add3A_229 : vector<16xi32>
      %mul3A_231 = arith.constant 128 : i32
      %mul3A_232 = arith.muli %scan3A_25, %mul3A_231 : i32
      %add3A_233 = arith.constant 64 : i32
      %add3A_234 = arith.addi %mul3A_232, %add3A_233 : i32
      %swap3A_235 = arith.index_cast %add3A_234 : i32 to index
      %swap3A_236 = tpu.vector_load %arg7[%swap3A_235] {strides = array<i32>} : memref<3328xi32, #tpu.memory_space<vmem>>, vector<16xi32>,
      tpu.vector_store %arg7[%swap3A_235], %add3A_230 {strides = array<i32>} : memref<3328xi32, #tpu.memory_space<vmem>>, vector<16xi32>,
      %add3A_237 = arith.constant 80 : i32
      %add3A_238 = vector.broadcast %add3A_237 : i32 to vector<16xi32>
      %add3A_239 = arith.addi %add3A_238, %iota3A : vector<16xi32>
      %gather3A_240 = tpu.vector_load_idx %arg5[%add3A_239, %add3A_27] : memref<128x26xi32, #tpu.memory_space<vmem>>[vector<16xi32>, vector<16xi32>], vector<16xi32>,
      %shift_right_arithmetic3A_241 = arith.constant 13 : i32
      %shift_right_arithmetic3A_242 = vector.broadcast %shift_right_arithmetic3A_241 : i32 to vector<16xi32>
      %shift_right_arithmetic3A_243 = arith.shrsi %gather3A_240, %shift_right_arithmetic3A_242 : vector<16xi32>
      %mul3A_244 = arith.constant 9363 : i32
      %mul3A_245 = vector.broadcast %mul3A_244 : i32 to vector<16xi32>
      %mul3A_246 = arith.muli %shift_right_arithmetic3A_243, %mul3A_245 : vector<16xi32>
      %shift_right_arithmetic3A_247 = arith.constant 16 : i32
      %shift_right_arithmetic3A_248 = vector.broadcast %shift_right_arithmetic3A_247 : i32 to vector<16xi32>
      %shift_right_arithmetic3A_249 = arith.shrsi %mul3A_246, %shift_right_arithmetic3A_248 : vector<16xi32>
      %mul3A_250 = arith.constant 7 : i32
      %mul3A_251 = vector.broadcast %mul3A_250 : i32 to vector<16xi32>
      %mul3A_252 = arith.muli %shift_right_arithmetic3A_249, %mul3A_251 : vector<16xi32>
      %sub3A_253 = arith.subi %shift_right_arithmetic3A_243, %mul3A_252 : vector<16xi32>
      %and3A_254 = arith.constant 8191 : i32
      %and3A_255 = vector.broadcast %and3A_254 : i32 to vector<16xi32>
      %and3A_256 = arith.andi %gather3A_240, %and3A_255 : vector<16xi32>
      %shift_left3A_257 = arith.constant 16 : i32
      %shift_left3A_258 = vector.broadcast %shift_left3A_257 : i32 to vector<16xi32>
      %shift_left3A_259 = arith.shli %shift_right_arithmetic3A_249, %shift_left3A_258 : vector<16xi32>
      %shift_left3A_260 = arith.constant 3 : i32
      %shift_left3A_261 = vector.broadcast %shift_left3A_260 : i32 to vector<16xi32>
      %shift_left3A_262 = arith.shli %and3A_256, %shift_left3A_261 : vector<16xi32>
      %add3A_263 = arith.addi %shift_left3A_259, %shift_left3A_262 : vector<16xi32>
      %add3A_264 = arith.addi %add3A_263, %sub3A_253 : vector<16xi32>
      %mul3A_265 = arith.constant 128 : i32
      %mul3A_266 = arith.muli %scan3A_25, %mul3A_265 : i32
      %add3A_267 = arith.constant 80 : i32
      %add3A_268 = arith.addi %mul3A_266, %add3A_267 : i32
      %swap3A_269 = arith.index_cast %add3A_268 : i32 to index
      %swap3A_270 = tpu.vector_load %arg6[%swap3A_269] {strides = array<i32>} : memref<3328xi32, #tpu.memory_space<vmem>>, vector<16xi32>,
      tpu.vector_store %arg6[%swap3A_269], %add3A_264 {strides = array<i32>} : memref<3328xi32, #tpu.memory_space<vmem>>, vector<16xi32>,
      %add3A_271 = arith.constant 1 : i32
      %add3A_272 = vector.broadcast %add3A_271 : i32 to vector<16xi32>
      %add3A_273 = arith.addi %add3A_264, %add3A_272 : vector<16xi32>
      %mul3A_274 = arith.constant 128 : i32
      %mul3A_275 = arith.muli %scan3A_25, %mul3A_274 : i32
      %add3A_276 = arith.constant 80 : i32
      %add3A_277 = arith.addi %mul3A_275, %add3A_276 : i32
      %swap3A_278 = arith.index_cast %add3A_277 : i32 to index
      %swap3A_279 = tpu.vector_load %arg7[%swap3A_278] {strides = array<i32>} : memref<3328xi32, #tpu.memory_space<vmem>>, vector<16xi32>,
      tpu.vector_store %arg7[%swap3A_278], %add3A_273 {strides = array<i32>} : memref<3328xi32, #tpu.memory_space<vmem>>, vector<16xi32>,
      %add3A_280 = arith.constant 96 : i32
      %add3A_281 = vector.broadcast %add3A_280 : i32 to vector<16xi32>
      %add3A_282 = arith.addi %add3A_281, %iota3A : vector<16xi32>
      %gather3A_283 = tpu.vector_load_idx %arg5[%add3A_282, %add3A_27] : memref<128x26xi32, #tpu.memory_space<vmem>>[vector<16xi32>, vector<16xi32>], vector<16xi32>,
      %shift_right_arithmetic3A_284 = arith.constant 13 : i32
      %shift_right_arithmetic3A_285 = vector.broadcast %shift_right_arithmetic3A_284 : i32 to vector<16xi32>
      %shift_right_arithmetic3A_286 = arith.shrsi %gather3A_283, %shift_right_arithmetic3A_285 : vector<16xi32>
      %mul3A_287 = arith.constant 9363 : i32
      %mul3A_288 = vector.broadcast %mul3A_287 : i32 to vector<16xi32>
      %mul3A_289 = arith.muli %shift_right_arithmetic3A_286, %mul3A_288 : vector<16xi32>
      %shift_right_arithmetic3A_290 = arith.constant 16 : i32
      %shift_right_arithmetic3A_291 = vector.broadcast %shift_right_arithmetic3A_290 : i32 to vector<16xi32>
      %shift_right_arithmetic3A_292 = arith.shrsi %mul3A_289, %shift_right_arithmetic3A_291 : vector<16xi32>
      %mul3A_293 = arith.constant 7 : i32
      %mul3A_294 = vector.broadcast %mul3A_293 : i32 to vector<16xi32>
      %mul3A_295 = arith.muli %shift_right_arithmetic3A_292, %mul3A_294 : vector<16xi32>
      %sub3A_296 = arith.subi %shift_right_arithmetic3A_286, %mul3A_295 : vector<16xi32>
      %and3A_297 = arith.constant 8191 : i32
      %and3A_298 = vector.broadcast %and3A_297 : i32 to vector<16xi32>
      %and3A_299 = arith.andi %gather3A_283, %and3A_298 : vector<16xi32>
      %shift_left3A_300 = arith.constant 16 : i32
      %shift_left3A_301 = vector.broadcast %shift_left3A_300 : i32 to vector<16xi32>
      %shift_left3A_302 = arith.shli %shift_right_arithmetic3A_292, %shift_left3A_301 : vector<16xi32>
      %shift_left3A_303 = arith.constant 3 : i32
      %shift_left3A_304 = vector.broadcast %shift_left3A_303 : i32 to vector<16xi32>
      %shift_left3A_305 = arith.shli %and3A_299, %shift_left3A_304 : vector<16xi32>
      %add3A_306 = arith.addi %shift_left3A_302, %shift_left3A_305 : vector<16xi32>
      %add3A_307 = arith.addi %add3A_306, %sub3A_296 : vector<16xi32>
      %mul3A_308 = arith.constant 128 : i32
      %mul3A_309 = arith.muli %scan3A_25, %mul3A_308 : i32
      %add3A_310 = arith.constant 96 : i32
      %add3A_311 = arith.addi %mul3A_309, %add3A_310 : i32
      %swap3A_312 = arith.index_cast %add3A_311 : i32 to index
      %swap3A_313 = tpu.vector_load %arg6[%swap3A_312] {strides = array<i32>} : memref<3328xi32, #tpu.memory_space<vmem>>, vector<16xi32>,
      tpu.vector_store %arg6[%swap3A_312], %add3A_307 {strides = array<i32>} : memref<3328xi32, #tpu.memory_space<vmem>>, vector<16xi32>,
      %add3A_314 = arith.constant 1 : i32
      %add3A_315 = vector.broadcast %add3A_314 : i32 to vector<16xi32>
      %add3A_316 = arith.addi %add3A_307, %add3A_315 : vector<16xi32>
      %mul3A_317 = arith.constant 128 : i32
      %mul3A_318 = arith.muli %scan3A_25, %mul3A_317 : i32
      %add3A_319 = arith.constant 96 : i32
      %add3A_320 = arith.addi %mul3A_318, %add3A_319 : i32
      %swap3A_321 = arith.index_cast %add3A_320 : i32 to index
      %swap3A_322 = tpu.vector_load %arg7[%swap3A_321] {strides = array<i32>} : memref<3328xi32, #tpu.memory_space<vmem>>, vector<16xi32>,
      tpu.vector_store %arg7[%swap3A_321], %add3A_316 {strides = array<i32>} : memref<3328xi32, #tpu.memory_space<vmem>>, vector<16xi32>,
      %add3A_323 = arith.constant 112 : i32
      %add3A_324 = vector.broadcast %add3A_323 : i32 to vector<16xi32>
      %add3A_325 = arith.addi %add3A_324, %iota3A : vector<16xi32>
      %gather3A_326 = tpu.vector_load_idx %arg5[%add3A_325, %add3A_27] : memref<128x26xi32, #tpu.memory_space<vmem>>[vector<16xi32>, vector<16xi32>], vector<16xi32>,
      %shift_right_arithmetic3A_327 = arith.constant 13 : i32
      %shift_right_arithmetic3A_328 = vector.broadcast %shift_right_arithmetic3A_327 : i32 to vector<16xi32>
      %shift_right_arithmetic3A_329 = arith.shrsi %gather3A_326, %shift_right_arithmetic3A_328 : vector<16xi32>
      %mul3A_330 = arith.constant 9363 : i32
      %mul3A_331 = vector.broadcast %mul3A_330 : i32 to vector<16xi32>
      %mul3A_332 = arith.muli %shift_right_arithmetic3A_329, %mul3A_331 : vector<16xi32>
      %shift_right_arithmetic3A_333 = arith.constant 16 : i32
      %shift_right_arithmetic3A_334 = vector.broadcast %shift_right_arithmetic3A_333 : i32 to vector<16xi32>
      %shift_right_arithmetic3A_335 = arith.shrsi %mul3A_332, %shift_right_arithmetic3A_334 : vector<16xi32>
      %mul3A_336 = arith.constant 7 : i32
      %mul3A_337 = vector.broadcast %mul3A_336 : i32 to vector<16xi32>
      %mul3A_338 = arith.muli %shift_right_arithmetic3A_335, %mul3A_337 : vector<16xi32>
      %sub3A_339 = arith.subi %shift_right_arithmetic3A_329, %mul3A_338 : vector<16xi32>
      %and3A_340 = arith.constant 8191 : i32
      %and3A_341 = vector.broadcast %and3A_340 : i32 to vector<16xi32>
      %and3A_342 = arith.andi %gather3A_326, %and3A_341 : vector<16xi32>
      %shift_left3A_343 = arith.constant 16 : i32
      %shift_left3A_344 = vector.broadcast %shift_left3A_343 : i32 to vector<16xi32>
      %shift_left3A_345 = arith.shli %shift_right_arithmetic3A_335, %shift_left3A_344 : vector<16xi32>
      %shift_left3A_346 = arith.constant 3 : i32
      %shift_left3A_347 = vector.broadcast %shift_left3A_346 : i32 to vector<16xi32>
      %shift_left3A_348 = arith.shli %and3A_342, %shift_left3A_347 : vector<16xi32>
      %add3A_349 = arith.addi %shift_left3A_345, %shift_left3A_348 : vector<16xi32>
      %add3A_350 = arith.addi %add3A_349, %sub3A_339 : vector<16xi32>
      %mul3A_351 = arith.constant 128 : i32
      %mul3A_352 = arith.muli %scan3A_25, %mul3A_351 : i32
      %add3A_353 = arith.constant 112 : i32
      %add3A_354 = arith.addi %mul3A_352, %add3A_353 : i32
      %swap3A_355 = arith.index_cast %add3A_354 : i32 to index
      %swap3A_356 = tpu.vector_load %arg6[%swap3A_355] {strides = array<i32>} : memref<3328xi32, #tpu.memory_space<vmem>>, vector<16xi32>,
      tpu.vector_store %arg6[%swap3A_355], %add3A_350 {strides = array<i32>} : memref<3328xi32, #tpu.memory_space<vmem>>, vector<16xi32>,
      %add3A_357 = arith.constant 1 : i32
      %add3A_358 = vector.broadcast %add3A_357 : i32 to vector<16xi32>
      %add3A_359 = arith.addi %add3A_350, %add3A_358 : vector<16xi32>
      %mul3A_360 = arith.constant 128 : i32
      %mul3A_361 = arith.muli %scan3A_25, %mul3A_360 : i32
      %add3A_362 = arith.constant 112 : i32
      %add3A_363 = arith.addi %mul3A_361, %add3A_362 : i32
      %swap3A_364 = arith.index_cast %add3A_363 : i32 to index
      %swap3A_365 = tpu.vector_load %arg7[%swap3A_364] {strides = array<i32>} : memref<3328xi32, #tpu.memory_space<vmem>>, vector<16xi32>,
      tpu.vector_store %arg7[%swap3A_364], %add3A_359 {strides = array<i32>} : memref<3328xi32, #tpu.memory_space<vmem>>, vector<16xi32>,
      %mul3A_366 = arith.constant 128 : i32
      %mul3A_367 = arith.muli %scan3A_25, %mul3A_366 : i32
      %dma_start3A = arith.constant 0 : i32
      %dma_start3A_368 = arith.constant 0 : i32
      %dma_start3A_369 = arith.constant 0 : i32
      %dma_start3A_370 = tpu.memref_slice %arg8[%scan3A_25, %dma_start3A, %dma_start3A_368, %dma_start3A_369] : memref<26x2x128x16xf32, #tpu.memory_space<vmem>> -> memref<1x1x128x16xf32, #tpu.memory_space<vmem>>
      %dma_start3A_371 = tpu.memref_squeeze %dma_start3A_370 : memref<1x1x128x16xf32, #tpu.memory_space<vmem>> -> memref<128x16xf32, #tpu.memory_space<vmem>>
      %dma_start3A_372 = tpu.memref_slice %arg6[%mul3A_367] : memref<3328xi32, #tpu.memory_space<vmem>> -> memref<128xi32, #tpu.memory_space<vmem>>
      %dma_start3A_373 = arith.constant 0 : i32
      %dma_start3A_374 = arith.constant 0 : i32
      %dma_start3A_375 = tpu.memref_slice %arg2[%dma_start3A_373, %dma_start3A_374] : memref<1179648x16xf32, #tpu.memory_space<hbm>> -> memref<1179648x16xf32, #tpu.memory_space<hbm>>
      tpu.enqueue_indirect_dma source(%dma_start3A_375 : memref<1179648x16xf32, #tpu.memory_space<hbm>>) target(%dma_start3A_371 : memref<128x16xf32, #tpu.memory_space<vmem>>) offsets(%dma_start3A_372 : memref<128xi32, #tpu.memory_space<vmem>>) semaphore(%arg10 : memref<!tpu.dma_semaphore, #tpu.memory_space<semaphore_mem>>)
      %mul3A_376 = arith.constant 128 : i32
      %mul3A_377 = arith.muli %scan3A_25, %mul3A_376 : i32
      %dma_start3A_378 = arith.constant 1 : i32
      %dma_start3A_379 = arith.constant 0 : i32
      %dma_start3A_380 = arith.constant 0 : i32
      %dma_start3A_381 = tpu.memref_slice %arg8[%scan3A_25, %dma_start3A_378, %dma_start3A_379, %dma_start3A_380] : memref<26x2x128x16xf32, #tpu.memory_space<vmem>> -> memref<1x1x128x16xf32, #tpu.memory_space<vmem>>
      %dma_start3A_382 = tpu.memref_squeeze %dma_start3A_381 : memref<1x1x128x16xf32, #tpu.memory_space<vmem>> -> memref<128x16xf32, #tpu.memory_space<vmem>>
      %dma_start3A_383 = tpu.memref_slice %arg7[%mul3A_377] : memref<3328xi32, #tpu.memory_space<vmem>> -> memref<128xi32, #tpu.memory_space<vmem>>
      %dma_start3A_384 = arith.constant 0 : i32
      %dma_start3A_385 = arith.constant 0 : i32
      %dma_start3A_386 = tpu.memref_slice %arg2[%dma_start3A_384, %dma_start3A_385] : memref<1179648x16xf32, #tpu.memory_space<hbm>> -> memref<1179648x16xf32, #tpu.memory_space<hbm>>
      tpu.enqueue_indirect_dma source(%dma_start3A_386 : memref<1179648x16xf32, #tpu.memory_space<hbm>>) target(%dma_start3A_382 : memref<128x16xf32, #tpu.memory_space<vmem>>) offsets(%dma_start3A_383 : memref<128xi32, #tpu.memory_space<vmem>>) semaphore(%arg10 : memref<!tpu.dma_semaphore, #tpu.memory_space<semaphore_mem>>)
    }
    %scan3A_10 = arith.constant 26 : i32
    %scan3A_11 = arith.constant 0 : i32
    %scan3A_12 = arith.constant 0 : i32
    %scan3A_13 = arith.constant 26 : i32
    %scan3A_14 = arith.addi %scan3A_12, %scan3A_13 : i32
    %scan3A_15 = arith.constant 1 : i32
    scf.for %scan3A_25 = %scan3A_12 to %scan3A_14 step %scan3A_15  : i32 {
      %mul3A_26 = arith.constant 128 : i32
      %mul3A_27 = arith.muli %scan3A_25, %mul3A_26 : i32
      %dma_wait3A = arith.constant 0 : i32
      %dma_wait3A_28 = arith.constant 0 : i32
      %dma_wait3A_29 = arith.constant 0 : i32
      %dma_wait3A_30 = tpu.memref_slice %arg8[%scan3A_25, %dma_wait3A, %dma_wait3A_28, %dma_wait3A_29] : memref<26x2x128x16xf32, #tpu.memory_space<vmem>> -> memref<1x1x128x16xf32, #tpu.memory_space<vmem>>
      %dma_wait3A_31 = tpu.memref_squeeze %dma_wait3A_30 : memref<1x1x128x16xf32, #tpu.memory_space<vmem>> -> memref<128x16xf32, #tpu.memory_space<vmem>>
      %dma_wait3A_32 = tpu.memref_slice %arg6[%mul3A_27] : memref<3328xi32, #tpu.memory_space<vmem>> -> memref<128xi32, #tpu.memory_space<vmem>>
      %dma_wait3A_33 = arith.constant 0 : i32
      %dma_wait3A_34 = arith.constant 0 : i32
      %dma_wait3A_35 = tpu.memref_slice %arg2[%dma_wait3A_33, %dma_wait3A_34] : memref<1179648x16xf32, #tpu.memory_space<hbm>> -> memref<1179648x16xf32, #tpu.memory_space<hbm>>
      tpu.wait_indirect_dma semaphore(%arg10 : memref<!tpu.dma_semaphore, #tpu.memory_space<semaphore_mem>>) src(%dma_wait3A_35 : memref<1179648x16xf32, #tpu.memory_space<hbm>>) dst(%dma_wait3A_31 : memref<128x16xf32, #tpu.memory_space<vmem>>)
      %mul3A_36 = arith.constant 128 : i32
      %mul3A_37 = arith.muli %scan3A_25, %mul3A_36 : i32
      %dma_wait3A_38 = arith.constant 1 : i32
      %dma_wait3A_39 = arith.constant 0 : i32
      %dma_wait3A_40 = arith.constant 0 : i32
      %dma_wait3A_41 = tpu.memref_slice %arg8[%scan3A_25, %dma_wait3A_38, %dma_wait3A_39, %dma_wait3A_40] : memref<26x2x128x16xf32, #tpu.memory_space<vmem>> -> memref<1x1x128x16xf32, #tpu.memory_space<vmem>>
      %dma_wait3A_42 = tpu.memref_squeeze %dma_wait3A_41 : memref<1x1x128x16xf32, #tpu.memory_space<vmem>> -> memref<128x16xf32, #tpu.memory_space<vmem>>
      %dma_wait3A_43 = tpu.memref_slice %arg7[%mul3A_37] : memref<3328xi32, #tpu.memory_space<vmem>> -> memref<128xi32, #tpu.memory_space<vmem>>
      %dma_wait3A_44 = arith.constant 0 : i32
      %dma_wait3A_45 = arith.constant 0 : i32
      %dma_wait3A_46 = tpu.memref_slice %arg2[%dma_wait3A_44, %dma_wait3A_45] : memref<1179648x16xf32, #tpu.memory_space<hbm>> -> memref<1179648x16xf32, #tpu.memory_space<hbm>>
      tpu.wait_indirect_dma semaphore(%arg10 : memref<!tpu.dma_semaphore, #tpu.memory_space<semaphore_mem>>) src(%dma_wait3A_46 : memref<1179648x16xf32, #tpu.memory_space<hbm>>) dst(%dma_wait3A_42 : memref<128x16xf32, #tpu.memory_space<vmem>>)
    }
    %scan3A_16 = arith.constant 26 : i32
    %scan3A_17 = arith.constant 0 : i32
    %scan3A_18 = arith.constant 0 : i32
    %scan3A_19 = arith.constant 8 : i32
    %scan3A_20 = arith.addi %scan3A_18, %scan3A_19 : i32
    %scan3A_21 = arith.constant 1 : i32
    scf.for %scan3A_25 = %scan3A_18 to %scan3A_20 step %scan3A_21  : i32 {
      %mul3A_26 = arith.constant 16 : i32
      %mul3A_27 = arith.muli %scan3A_25, %mul3A_26 : i32
      %add3A_28 = vector.broadcast %mul3A_27 : i32 to vector<16xi32>
      %add3A_29 = arith.addi %add3A_28, %iota3A : vector<16xi32>
      %scan3A_30 = arith.constant 0 : i32
      %scan3A_31 = arith.constant 26 : i32
      %scan3A_32 = arith.addi %scan3A_30, %scan3A_31 : i32
      %scan3A_33 = arith.constant 1 : i32
      %scan3A_34:33 = scf.for %scan3A_163 = %scan3A_30 to %scan3A_32 step %scan3A_33 iter_args(%scan3A_164 = %broadcast_in_dim3A_1, %scan3A_165 = %broadcast_in_dim3A_1, %scan3A_166 = %broadcast_in_dim3A_1, %scan3A_167 = %broadcast_in_dim3A_1, %scan3A_168 = %broadcast_in_dim3A_1, %scan3A_169 = %broadcast_in_dim3A_1, %scan3A_170 = %broadcast_in_dim3A_1, %scan3A_171 = %broadcast_in_dim3A_1, %scan3A_172 = %broadcast_in_dim3A_1, %scan3A_173 = %broadcast_in_dim3A_1, %scan3A_174 = %broadcast_in_dim3A_1, %scan3A_175 = %broadcast_in_dim3A_1, %scan3A_176 = %broadcast_in_dim3A_1, %scan3A_177 = %broadcast_in_dim3A_1, %scan3A_178 = %broadcast_in_dim3A_1, %scan3A_179 = %broadcast_in_dim3A_1, %scan3A_180 = %broadcast_in_dim3A_1, %scan3A_181 = %broadcast_in_dim3A_1, %scan3A_182 = %broadcast_in_dim3A_1, %scan3A_183 = %broadcast_in_dim3A_1, %scan3A_184 = %broadcast_in_dim3A_1, %scan3A_185 = %broadcast_in_dim3A_1, %scan3A_186 = %broadcast_in_dim3A_1, %scan3A_187 = %broadcast_in_dim3A_1, %scan3A_188 = %broadcast_in_dim3A_1, %scan3A_189 = %broadcast_in_dim3A_1, %scan3A_190 = %broadcast_in_dim3A_1, %scan3A_191 = %broadcast_in_dim3A_1, %scan3A_192 = %broadcast_in_dim3A_1, %scan3A_193 = %broadcast_in_dim3A_1, %scan3A_194 = %broadcast_in_dim3A_1, %scan3A_195 = %broadcast_in_dim3A_1, %scan3A_196 = %broadcast_in_dim3A_1) -> (vector<16xf32>, vector<16xf32>, vector<16xf32>, vector<16xf32>, vector<16xf32>, vector<16xf32>, vector<16xf32>, vector<16xf32>, vector<16xf32>, vector<16xf32>, vector<16xf32>, vector<16xf32>, vector<16xf32>, vector<16xf32>, vector<16xf32>, vector<16xf32>, vector<16xf32>, vector<16xf32>, vector<16xf32>, vector<16xf32>, vector<16xf32>, vector<16xf32>, vector<16xf32>, vector<16xf32>, vector<16xf32>, vector<16xf32>, vector<16xf32>, vector<16xf32>, vector<16xf32>, vector<16xf32>, vector<16xf32>, vector<16xf32>, vector<16xf32>)  : i32 {
        %add3A_197 = vector.broadcast %scan3A_163 : i32 to vector<16xi32>
        %add3A_198 = arith.addi %broadcast_in_dim3A_3, %add3A_197 : vector<16xi32>
        %gather3A = tpu.vector_load_idx %arg5[%add3A_29, %add3A_198] : memref<128x26xi32, #tpu.memory_space<vmem>>[vector<16xi32>, vector<16xi32>], vector<16xi32>,
        %shift_right_arithmetic3A = arith.constant 13 : i32
        %shift_right_arithmetic3A_199 = vector.broadcast %shift_right_arithmetic3A : i32 to vector<16xi32>
        %shift_right_arithmetic3A_200 = arith.shrsi %gather3A, %shift_right_arithmetic3A_199 : vector<16xi32>
        %mul3A_201 = arith.constant 9363 : i32
        %mul3A_202 = vector.broadcast %mul3A_201 : i32 to vector<16xi32>
        %mul3A_203 = arith.muli %shift_right_arithmetic3A_200, %mul3A_202 : vector<16xi32>
        %shift_right_arithmetic3A_204 = arith.constant 16 : i32
        %shift_right_arithmetic3A_205 = vector.broadcast %shift_right_arithmetic3A_204 : i32 to vector<16xi32>
        %shift_right_arithmetic3A_206 = arith.shrsi %mul3A_203, %shift_right_arithmetic3A_205 : vector<16xi32>
        %mul3A_207 = arith.constant 7 : i32
        %mul3A_208 = vector.broadcast %mul3A_207 : i32 to vector<16xi32>
        %mul3A_209 = arith.muli %shift_right_arithmetic3A_206, %mul3A_208 : vector<16xi32>
        %sub3A_210 = arith.subi %shift_right_arithmetic3A_200, %mul3A_209 : vector<16xi32>
        %and3A = arith.constant 8191 : i32
        %and3A_211 = vector.broadcast %and3A : i32 to vector<16xi32>
        %and3A_212 = arith.andi %gather3A, %and3A_211 : vector<16xi32>
        %add3A_213 = arith.constant 0 : i32
        %add3A_214 = vector.broadcast %add3A_213 : i32 to vector<16xi32>
        %add3A_215 = arith.addi %sub3A_210, %add3A_214 : vector<16xi32>
        %shift_right_arithmetic3A_216 = arith.constant 4 : i32
        %shift_right_arithmetic3A_217 = vector.broadcast %shift_right_arithmetic3A_216 : i32 to vector<16xi32>
        %shift_right_arithmetic3A_218 = arith.shrsi %add3A_215, %shift_right_arithmetic3A_217 : vector<16xi32>
        %and3A_219 = arith.constant 15 : i32
        %and3A_220 = vector.broadcast %and3A_219 : i32 to vector<16xi32>
        %and3A_221 = arith.andi %add3A_215, %and3A_220 : vector<16xi32>
        %gather3A_222 = tpu.vector_load_idx %arg8[%add3A_198, %shift_right_arithmetic3A_218, %add3A_29, %and3A_221] : memref<26x2x128x16xf32, #tpu.memory_space<vmem>>[vector<16xi32>, vector<16xi32>, vector<16xi32>, vector<16xi32>], vector<16xf32>,
        %add3A_223 = arith.addf %scan3A_164, %gather3A_222 : vector<16xf32>
        %add3A_224 = arith.constant 1 : i32
        %add3A_225 = vector.broadcast %add3A_224 : i32 to vector<16xi32>
        %add3A_226 = arith.addi %sub3A_210, %add3A_225 : vector<16xi32>
        %shift_right_arithmetic3A_227 = arith.constant 4 : i32
        %shift_right_arithmetic3A_228 = vector.broadcast %shift_right_arithmetic3A_227 : i32 to vector<16xi32>
        %shift_right_arithmetic3A_229 = arith.shrsi %add3A_226, %shift_right_arithmetic3A_228 : vector<16xi32>
        %and3A_230 = arith.constant 15 : i32
        %and3A_231 = vector.broadcast %and3A_230 : i32 to vector<16xi32>
        %and3A_232 = arith.andi %add3A_226, %and3A_231 : vector<16xi32>
        %gather3A_233 = tpu.vector_load_idx %arg8[%add3A_198, %shift_right_arithmetic3A_229, %add3A_29, %and3A_232] : memref<26x2x128x16xf32, #tpu.memory_space<vmem>>[vector<16xi32>, vector<16xi32>, vector<16xi32>, vector<16xi32>], vector<16xf32>,
        %add3A_234 = arith.addf %scan3A_165, %gather3A_233 : vector<16xf32>
        %add3A_235 = arith.constant 2 : i32
        %add3A_236 = vector.broadcast %add3A_235 : i32 to vector<16xi32>
        %add3A_237 = arith.addi %sub3A_210, %add3A_236 : vector<16xi32>
        %shift_right_arithmetic3A_238 = arith.constant 4 : i32
        %shift_right_arithmetic3A_239 = vector.broadcast %shift_right_arithmetic3A_238 : i32 to vector<16xi32>
        %shift_right_arithmetic3A_240 = arith.shrsi %add3A_237, %shift_right_arithmetic3A_239 : vector<16xi32>
        %and3A_241 = arith.constant 15 : i32
        %and3A_242 = vector.broadcast %and3A_241 : i32 to vector<16xi32>
        %and3A_243 = arith.andi %add3A_237, %and3A_242 : vector<16xi32>
        %gather3A_244 = tpu.vector_load_idx %arg8[%add3A_198, %shift_right_arithmetic3A_240, %add3A_29, %and3A_243] : memref<26x2x128x16xf32, #tpu.memory_space<vmem>>[vector<16xi32>, vector<16xi32>, vector<16xi32>, vector<16xi32>], vector<16xf32>,
        %add3A_245 = arith.addf %scan3A_166, %gather3A_244 : vector<16xf32>
        %add3A_246 = arith.constant 3 : i32
        %add3A_247 = vector.broadcast %add3A_246 : i32 to vector<16xi32>
        %add3A_248 = arith.addi %sub3A_210, %add3A_247 : vector<16xi32>
        %shift_right_arithmetic3A_249 = arith.constant 4 : i32
        %shift_right_arithmetic3A_250 = vector.broadcast %shift_right_arithmetic3A_249 : i32 to vector<16xi32>
        %shift_right_arithmetic3A_251 = arith.shrsi %add3A_248, %shift_right_arithmetic3A_250 : vector<16xi32>
        %and3A_252 = arith.constant 15 : i32
        %and3A_253 = vector.broadcast %and3A_252 : i32 to vector<16xi32>
        %and3A_254 = arith.andi %add3A_248, %and3A_253 : vector<16xi32>
        %gather3A_255 = tpu.vector_load_idx %arg8[%add3A_198, %shift_right_arithmetic3A_251, %add3A_29, %and3A_254] : memref<26x2x128x16xf32, #tpu.memory_space<vmem>>[vector<16xi32>, vector<16xi32>, vector<16xi32>, vector<16xi32>], vector<16xf32>,
        %add3A_256 = arith.addf %scan3A_167, %gather3A_255 : vector<16xf32>
        %add3A_257 = arith.constant 4 : i32
        %add3A_258 = vector.broadcast %add3A_257 : i32 to vector<16xi32>
        %add3A_259 = arith.addi %sub3A_210, %add3A_258 : vector<16xi32>
        %shift_right_arithmetic3A_260 = arith.constant 4 : i32
        %shift_right_arithmetic3A_261 = vector.broadcast %shift_right_arithmetic3A_260 : i32 to vector<16xi32>
        %shift_right_arithmetic3A_262 = arith.shrsi %add3A_259, %shift_right_arithmetic3A_261 : vector<16xi32>
        %and3A_263 = arith.constant 15 : i32
        %and3A_264 = vector.broadcast %and3A_263 : i32 to vector<16xi32>
        %and3A_265 = arith.andi %add3A_259, %and3A_264 : vector<16xi32>
        %gather3A_266 = tpu.vector_load_idx %arg8[%add3A_198, %shift_right_arithmetic3A_262, %add3A_29, %and3A_265] : memref<26x2x128x16xf32, #tpu.memory_space<vmem>>[vector<16xi32>, vector<16xi32>, vector<16xi32>, vector<16xi32>], vector<16xf32>,
        %add3A_267 = arith.addf %scan3A_168, %gather3A_266 : vector<16xf32>
        %add3A_268 = arith.constant 5 : i32
        %add3A_269 = vector.broadcast %add3A_268 : i32 to vector<16xi32>
        %add3A_270 = arith.addi %sub3A_210, %add3A_269 : vector<16xi32>
        %shift_right_arithmetic3A_271 = arith.constant 4 : i32
        %shift_right_arithmetic3A_272 = vector.broadcast %shift_right_arithmetic3A_271 : i32 to vector<16xi32>
        %shift_right_arithmetic3A_273 = arith.shrsi %add3A_270, %shift_right_arithmetic3A_272 : vector<16xi32>
        %and3A_274 = arith.constant 15 : i32
        %and3A_275 = vector.broadcast %and3A_274 : i32 to vector<16xi32>
        %and3A_276 = arith.andi %add3A_270, %and3A_275 : vector<16xi32>
        %gather3A_277 = tpu.vector_load_idx %arg8[%add3A_198, %shift_right_arithmetic3A_273, %add3A_29, %and3A_276] : memref<26x2x128x16xf32, #tpu.memory_space<vmem>>[vector<16xi32>, vector<16xi32>, vector<16xi32>, vector<16xi32>], vector<16xf32>,
        %add3A_278 = arith.addf %scan3A_169, %gather3A_277 : vector<16xf32>
        %add3A_279 = arith.constant 6 : i32
        %add3A_280 = vector.broadcast %add3A_279 : i32 to vector<16xi32>
        %add3A_281 = arith.addi %sub3A_210, %add3A_280 : vector<16xi32>
        %shift_right_arithmetic3A_282 = arith.constant 4 : i32
        %shift_right_arithmetic3A_283 = vector.broadcast %shift_right_arithmetic3A_282 : i32 to vector<16xi32>
        %shift_right_arithmetic3A_284 = arith.shrsi %add3A_281, %shift_right_arithmetic3A_283 : vector<16xi32>
        %and3A_285 = arith.constant 15 : i32
        %and3A_286 = vector.broadcast %and3A_285 : i32 to vector<16xi32>
        %and3A_287 = arith.andi %add3A_281, %and3A_286 : vector<16xi32>
        %gather3A_288 = tpu.vector_load_idx %arg8[%add3A_198, %shift_right_arithmetic3A_284, %add3A_29, %and3A_287] : memref<26x2x128x16xf32, #tpu.memory_space<vmem>>[vector<16xi32>, vector<16xi32>, vector<16xi32>, vector<16xi32>], vector<16xf32>,
        %add3A_289 = arith.addf %scan3A_170, %gather3A_288 : vector<16xf32>
        %add3A_290 = arith.constant 7 : i32
        %add3A_291 = vector.broadcast %add3A_290 : i32 to vector<16xi32>
        %add3A_292 = arith.addi %sub3A_210, %add3A_291 : vector<16xi32>
        %shift_right_arithmetic3A_293 = arith.constant 4 : i32
        %shift_right_arithmetic3A_294 = vector.broadcast %shift_right_arithmetic3A_293 : i32 to vector<16xi32>
        %shift_right_arithmetic3A_295 = arith.shrsi %add3A_292, %shift_right_arithmetic3A_294 : vector<16xi32>
        %and3A_296 = arith.constant 15 : i32
        %and3A_297 = vector.broadcast %and3A_296 : i32 to vector<16xi32>
        %and3A_298 = arith.andi %add3A_292, %and3A_297 : vector<16xi32>
        %gather3A_299 = tpu.vector_load_idx %arg8[%add3A_198, %shift_right_arithmetic3A_295, %add3A_29, %and3A_298] : memref<26x2x128x16xf32, #tpu.memory_space<vmem>>[vector<16xi32>, vector<16xi32>, vector<16xi32>, vector<16xi32>], vector<16xf32>,
        %add3A_300 = arith.addf %scan3A_171, %gather3A_299 : vector<16xf32>
        %add3A_301 = arith.constant 8 : i32
        %add3A_302 = vector.broadcast %add3A_301 : i32 to vector<16xi32>
        %add3A_303 = arith.addi %sub3A_210, %add3A_302 : vector<16xi32>
        %shift_right_arithmetic3A_304 = arith.constant 4 : i32
        %shift_right_arithmetic3A_305 = vector.broadcast %shift_right_arithmetic3A_304 : i32 to vector<16xi32>
        %shift_right_arithmetic3A_306 = arith.shrsi %add3A_303, %shift_right_arithmetic3A_305 : vector<16xi32>
        %and3A_307 = arith.constant 15 : i32
        %and3A_308 = vector.broadcast %and3A_307 : i32 to vector<16xi32>
        %and3A_309 = arith.andi %add3A_303, %and3A_308 : vector<16xi32>
        %gather3A_310 = tpu.vector_load_idx %arg8[%add3A_198, %shift_right_arithmetic3A_306, %add3A_29, %and3A_309] : memref<26x2x128x16xf32, #tpu.memory_space<vmem>>[vector<16xi32>, vector<16xi32>, vector<16xi32>, vector<16xi32>], vector<16xf32>,
        %add3A_311 = arith.addf %scan3A_172, %gather3A_310 : vector<16xf32>
        %add3A_312 = arith.constant 9 : i32
        %add3A_313 = vector.broadcast %add3A_312 : i32 to vector<16xi32>
        %add3A_314 = arith.addi %sub3A_210, %add3A_313 : vector<16xi32>
        %shift_right_arithmetic3A_315 = arith.constant 4 : i32
        %shift_right_arithmetic3A_316 = vector.broadcast %shift_right_arithmetic3A_315 : i32 to vector<16xi32>
        %shift_right_arithmetic3A_317 = arith.shrsi %add3A_314, %shift_right_arithmetic3A_316 : vector<16xi32>
        %and3A_318 = arith.constant 15 : i32
        %and3A_319 = vector.broadcast %and3A_318 : i32 to vector<16xi32>
        %and3A_320 = arith.andi %add3A_314, %and3A_319 : vector<16xi32>
        %gather3A_321 = tpu.vector_load_idx %arg8[%add3A_198, %shift_right_arithmetic3A_317, %add3A_29, %and3A_320] : memref<26x2x128x16xf32, #tpu.memory_space<vmem>>[vector<16xi32>, vector<16xi32>, vector<16xi32>, vector<16xi32>], vector<16xf32>,
        %add3A_322 = arith.addf %scan3A_173, %gather3A_321 : vector<16xf32>
        %add3A_323 = arith.constant 10 : i32
        %add3A_324 = vector.broadcast %add3A_323 : i32 to vector<16xi32>
        %add3A_325 = arith.addi %sub3A_210, %add3A_324 : vector<16xi32>
        %shift_right_arithmetic3A_326 = arith.constant 4 : i32
        %shift_right_arithmetic3A_327 = vector.broadcast %shift_right_arithmetic3A_326 : i32 to vector<16xi32>
        %shift_right_arithmetic3A_328 = arith.shrsi %add3A_325, %shift_right_arithmetic3A_327 : vector<16xi32>
        %and3A_329 = arith.constant 15 : i32
        %and3A_330 = vector.broadcast %and3A_329 : i32 to vector<16xi32>
        %and3A_331 = arith.andi %add3A_325, %and3A_330 : vector<16xi32>
        %gather3A_332 = tpu.vector_load_idx %arg8[%add3A_198, %shift_right_arithmetic3A_328, %add3A_29, %and3A_331] : memref<26x2x128x16xf32, #tpu.memory_space<vmem>>[vector<16xi32>, vector<16xi32>, vector<16xi32>, vector<16xi32>], vector<16xf32>,
        %add3A_333 = arith.addf %scan3A_174, %gather3A_332 : vector<16xf32>
        %add3A_334 = arith.constant 11 : i32
        %add3A_335 = vector.broadcast %add3A_334 : i32 to vector<16xi32>
        %add3A_336 = arith.addi %sub3A_210, %add3A_335 : vector<16xi32>
        %shift_right_arithmetic3A_337 = arith.constant 4 : i32
        %shift_right_arithmetic3A_338 = vector.broadcast %shift_right_arithmetic3A_337 : i32 to vector<16xi32>
        %shift_right_arithmetic3A_339 = arith.shrsi %add3A_336, %shift_right_arithmetic3A_338 : vector<16xi32>
        %and3A_340 = arith.constant 15 : i32
        %and3A_341 = vector.broadcast %and3A_340 : i32 to vector<16xi32>
        %and3A_342 = arith.andi %add3A_336, %and3A_341 : vector<16xi32>
        %gather3A_343 = tpu.vector_load_idx %arg8[%add3A_198, %shift_right_arithmetic3A_339, %add3A_29, %and3A_342] : memref<26x2x128x16xf32, #tpu.memory_space<vmem>>[vector<16xi32>, vector<16xi32>, vector<16xi32>, vector<16xi32>], vector<16xf32>,
        %add3A_344 = arith.addf %scan3A_175, %gather3A_343 : vector<16xf32>
        %add3A_345 = arith.constant 12 : i32
        %add3A_346 = vector.broadcast %add3A_345 : i32 to vector<16xi32>
        %add3A_347 = arith.addi %sub3A_210, %add3A_346 : vector<16xi32>
        %shift_right_arithmetic3A_348 = arith.constant 4 : i32
        %shift_right_arithmetic3A_349 = vector.broadcast %shift_right_arithmetic3A_348 : i32 to vector<16xi32>
        %shift_right_arithmetic3A_350 = arith.shrsi %add3A_347, %shift_right_arithmetic3A_349 : vector<16xi32>
        %and3A_351 = arith.constant 15 : i32
        %and3A_352 = vector.broadcast %and3A_351 : i32 to vector<16xi32>
        %and3A_353 = arith.andi %add3A_347, %and3A_352 : vector<16xi32>
        %gather3A_354 = tpu.vector_load_idx %arg8[%add3A_198, %shift_right_arithmetic3A_350, %add3A_29, %and3A_353] : memref<26x2x128x16xf32, #tpu.memory_space<vmem>>[vector<16xi32>, vector<16xi32>, vector<16xi32>, vector<16xi32>], vector<16xf32>,
        %add3A_355 = arith.addf %scan3A_176, %gather3A_354 : vector<16xf32>
        %add3A_356 = arith.constant 13 : i32
        %add3A_357 = vector.broadcast %add3A_356 : i32 to vector<16xi32>
        %add3A_358 = arith.addi %sub3A_210, %add3A_357 : vector<16xi32>
        %shift_right_arithmetic3A_359 = arith.constant 4 : i32
        %shift_right_arithmetic3A_360 = vector.broadcast %shift_right_arithmetic3A_359 : i32 to vector<16xi32>
        %shift_right_arithmetic3A_361 = arith.shrsi %add3A_358, %shift_right_arithmetic3A_360 : vector<16xi32>
        %and3A_362 = arith.constant 15 : i32
        %and3A_363 = vector.broadcast %and3A_362 : i32 to vector<16xi32>
        %and3A_364 = arith.andi %add3A_358, %and3A_363 : vector<16xi32>
        %gather3A_365 = tpu.vector_load_idx %arg8[%add3A_198, %shift_right_arithmetic3A_361, %add3A_29, %and3A_364] : memref<26x2x128x16xf32, #tpu.memory_space<vmem>>[vector<16xi32>, vector<16xi32>, vector<16xi32>, vector<16xi32>], vector<16xf32>,
        %add3A_366 = arith.addf %scan3A_177, %gather3A_365 : vector<16xf32>
        %add3A_367 = arith.constant 14 : i32
        %add3A_368 = vector.broadcast %add3A_367 : i32 to vector<16xi32>
        %add3A_369 = arith.addi %sub3A_210, %add3A_368 : vector<16xi32>
        %shift_right_arithmetic3A_370 = arith.constant 4 : i32
        %shift_right_arithmetic3A_371 = vector.broadcast %shift_right_arithmetic3A_370 : i32 to vector<16xi32>
        %shift_right_arithmetic3A_372 = arith.shrsi %add3A_369, %shift_right_arithmetic3A_371 : vector<16xi32>
        %and3A_373 = arith.constant 15 : i32
        %and3A_374 = vector.broadcast %and3A_373 : i32 to vector<16xi32>
        %and3A_375 = arith.andi %add3A_369, %and3A_374 : vector<16xi32>
        %gather3A_376 = tpu.vector_load_idx %arg8[%add3A_198, %shift_right_arithmetic3A_372, %add3A_29, %and3A_375] : memref<26x2x128x16xf32, #tpu.memory_space<vmem>>[vector<16xi32>, vector<16xi32>, vector<16xi32>, vector<16xi32>], vector<16xf32>,
        %add3A_377 = arith.addf %scan3A_178, %gather3A_376 : vector<16xf32>
        %add3A_378 = arith.constant 15 : i32
        %add3A_379 = vector.broadcast %add3A_378 : i32 to vector<16xi32>
        %add3A_380 = arith.addi %sub3A_210, %add3A_379 : vector<16xi32>
        %shift_right_arithmetic3A_381 = arith.constant 4 : i32
        %shift_right_arithmetic3A_382 = vector.broadcast %shift_right_arithmetic3A_381 : i32 to vector<16xi32>
        %shift_right_arithmetic3A_383 = arith.shrsi %add3A_380, %shift_right_arithmetic3A_382 : vector<16xi32>
        %and3A_384 = arith.constant 15 : i32
        %and3A_385 = vector.broadcast %and3A_384 : i32 to vector<16xi32>
        %and3A_386 = arith.andi %add3A_380, %and3A_385 : vector<16xi32>
        %gather3A_387 = tpu.vector_load_idx %arg8[%add3A_198, %shift_right_arithmetic3A_383, %add3A_29, %and3A_386] : memref<26x2x128x16xf32, #tpu.memory_space<vmem>>[vector<16xi32>, vector<16xi32>, vector<16xi32>, vector<16xi32>], vector<16xf32>,
        %add3A_388 = arith.addf %scan3A_179, %gather3A_387 : vector<16xf32>
        %add3A_389 = arith.constant 16 : i32
        %add3A_390 = vector.broadcast %add3A_389 : i32 to vector<16xi32>
        %add3A_391 = arith.addi %sub3A_210, %add3A_390 : vector<16xi32>
        %shift_right_arithmetic3A_392 = arith.constant 4 : i32
        %shift_right_arithmetic3A_393 = vector.broadcast %shift_right_arithmetic3A_392 : i32 to vector<16xi32>
        %shift_right_arithmetic3A_394 = arith.shrsi %add3A_391, %shift_right_arithmetic3A_393 : vector<16xi32>
        %and3A_395 = arith.constant 15 : i32
        %and3A_396 = vector.broadcast %and3A_395 : i32 to vector<16xi32>
        %and3A_397 = arith.andi %add3A_391, %and3A_396 : vector<16xi32>
        %gather3A_398 = tpu.vector_load_idx %arg8[%add3A_198, %shift_right_arithmetic3A_394, %add3A_29, %and3A_397] : memref<26x2x128x16xf32, #tpu.memory_space<vmem>>[vector<16xi32>, vector<16xi32>, vector<16xi32>, vector<16xi32>], vector<16xf32>,
        %add3A_399 = arith.addf %scan3A_180, %gather3A_398 : vector<16xf32>
        %mul3A_400 = arith.mulf %gather3A_222, %gather3A_222 : vector<16xf32>
        %add3A_401 = arith.addf %scan3A_181, %mul3A_400 : vector<16xf32>
        %mul3A_402 = arith.mulf %gather3A_233, %gather3A_233 : vector<16xf32>
        %add3A_403 = arith.addf %scan3A_182, %mul3A_402 : vector<16xf32>
        %mul3A_404 = arith.mulf %gather3A_244, %gather3A_244 : vector<16xf32>
        %add3A_405 = arith.addf %scan3A_183, %mul3A_404 : vector<16xf32>
        %mul3A_406 = arith.mulf %gather3A_255, %gather3A_255 : vector<16xf32>
        %add3A_407 = arith.addf %scan3A_184, %mul3A_406 : vector<16xf32>
        %mul3A_408 = arith.mulf %gather3A_266, %gather3A_266 : vector<16xf32>
        %add3A_409 = arith.addf %scan3A_185, %mul3A_408 : vector<16xf32>
        %mul3A_410 = arith.mulf %gather3A_277, %gather3A_277 : vector<16xf32>
        %add3A_411 = arith.addf %scan3A_186, %mul3A_410 : vector<16xf32>
        %mul3A_412 = arith.mulf %gather3A_288, %gather3A_288 : vector<16xf32>
        %add3A_413 = arith.addf %scan3A_187, %mul3A_412 : vector<16xf32>
        %mul3A_414 = arith.mulf %gather3A_299, %gather3A_299 : vector<16xf32>
        %add3A_415 = arith.addf %scan3A_188, %mul3A_414 : vector<16xf32>
        %mul3A_416 = arith.mulf %gather3A_310, %gather3A_310 : vector<16xf32>
        %add3A_417 = arith.addf %scan3A_189, %mul3A_416 : vector<16xf32>
        %mul3A_418 = arith.mulf %gather3A_321, %gather3A_321 : vector<16xf32>
        %add3A_419 = arith.addf %scan3A_190, %mul3A_418 : vector<16xf32>
        %mul3A_420 = arith.mulf %gather3A_332, %gather3A_332 : vector<16xf32>
        %add3A_421 = arith.addf %scan3A_191, %mul3A_420 : vector<16xf32>
        %mul3A_422 = arith.mulf %gather3A_343, %gather3A_343 : vector<16xf32>
        %add3A_423 = arith.addf %scan3A_192, %mul3A_422 : vector<16xf32>
        %mul3A_424 = arith.mulf %gather3A_354, %gather3A_354 : vector<16xf32>
        %add3A_425 = arith.addf %scan3A_193, %mul3A_424 : vector<16xf32>
        %mul3A_426 = arith.mulf %gather3A_365, %gather3A_365 : vector<16xf32>
        %add3A_427 = arith.addf %scan3A_194, %mul3A_426 : vector<16xf32>
        %mul3A_428 = arith.mulf %gather3A_376, %gather3A_376 : vector<16xf32>
        %add3A_429 = arith.addf %scan3A_195, %mul3A_428 : vector<16xf32>
        %mul3A_430 = arith.mulf %gather3A_387, %gather3A_387 : vector<16xf32>
        %add3A_431 = arith.addf %scan3A_196, %mul3A_430 : vector<16xf32>
        scf.yield %add3A_223, %add3A_234, %add3A_245, %add3A_256, %add3A_267, %add3A_278, %add3A_289, %add3A_300, %add3A_311, %add3A_322, %add3A_333, %add3A_344, %add3A_355, %add3A_366, %add3A_377, %add3A_388, %add3A_399, %add3A_401, %add3A_403, %add3A_405, %add3A_407, %add3A_409, %add3A_411, %add3A_413, %add3A_415, %add3A_417, %add3A_419, %add3A_421, %add3A_423, %add3A_425, %add3A_427, %add3A_429, %add3A_431 : vector<16xf32>, vector<16xf32>, vector<16xf32>, vector<16xf32>, vector<16xf32>, vector<16xf32>, vector<16xf32>, vector<16xf32>, vector<16xf32>, vector<16xf32>, vector<16xf32>, vector<16xf32>, vector<16xf32>, vector<16xf32>, vector<16xf32>, vector<16xf32>, vector<16xf32>, vector<16xf32>, vector<16xf32>, vector<16xf32>, vector<16xf32>, vector<16xf32>, vector<16xf32>, vector<16xf32>, vector<16xf32>, vector<16xf32>, vector<16xf32>, vector<16xf32>, vector<16xf32>, vector<16xf32>, vector<16xf32>, vector<16xf32>, vector<16xf32>
      }
      %scan3A_35 = arith.constant 26 : i32
      tpu.vector_store_idx %arg9[%add3A_29, %broadcast_in_dim3A_3], %scan3A_34#16 : memref<128x17xf32, #tpu.memory_space<vmem>>[vector<16xi32>, vector<16xi32>], vector<16xf32>,
      %mul3A_36 = arith.mulf %scan3A_34#0, %scan3A_34#0 : vector<16xf32>
      %sub3A = arith.subf %mul3A_36, %scan3A_34#17 : vector<16xf32>
      %mul3A_37 = arith.constant 5.000000e-01 : f32
      %mul3A_38 = vector.broadcast %mul3A_37 : f32 to vector<16xf32>
      %mul3A_39 = arith.mulf %mul3A_38, %sub3A : vector<16xf32>
      %add3A_40 = arith.constant 1 : i32
      %add3A_41 = vector.broadcast %add3A_40 : i32 to vector<16xi32>
      %add3A_42 = arith.addi %broadcast_in_dim3A_3, %add3A_41 : vector<16xi32>
      tpu.vector_store_idx %arg9[%add3A_29, %add3A_42], %mul3A_39 : memref<128x17xf32, #tpu.memory_space<vmem>>[vector<16xi32>, vector<16xi32>], vector<16xf32>,
      %mul3A_43 = arith.mulf %scan3A_34#1, %scan3A_34#1 : vector<16xf32>
      %sub3A_44 = arith.subf %mul3A_43, %scan3A_34#18 : vector<16xf32>
      %mul3A_45 = arith.constant 5.000000e-01 : f32
      %mul3A_46 = vector.broadcast %mul3A_45 : f32 to vector<16xf32>
      %mul3A_47 = arith.mulf %mul3A_46, %sub3A_44 : vector<16xf32>
      %add3A_48 = arith.constant 2 : i32
      %add3A_49 = vector.broadcast %add3A_48 : i32 to vector<16xi32>
      %add3A_50 = arith.addi %broadcast_in_dim3A_3, %add3A_49 : vector<16xi32>
      tpu.vector_store_idx %arg9[%add3A_29, %add3A_50], %mul3A_47 : memref<128x17xf32, #tpu.memory_space<vmem>>[vector<16xi32>, vector<16xi32>], vector<16xf32>,
      %mul3A_51 = arith.mulf %scan3A_34#2, %scan3A_34#2 : vector<16xf32>
      %sub3A_52 = arith.subf %mul3A_51, %scan3A_34#19 : vector<16xf32>
      %mul3A_53 = arith.constant 5.000000e-01 : f32
      %mul3A_54 = vector.broadcast %mul3A_53 : f32 to vector<16xf32>
      %mul3A_55 = arith.mulf %mul3A_54, %sub3A_52 : vector<16xf32>
      %add3A_56 = arith.constant 3 : i32
      %add3A_57 = vector.broadcast %add3A_56 : i32 to vector<16xi32>
      %add3A_58 = arith.addi %broadcast_in_dim3A_3, %add3A_57 : vector<16xi32>
      tpu.vector_store_idx %arg9[%add3A_29, %add3A_58], %mul3A_55 : memref<128x17xf32, #tpu.memory_space<vmem>>[vector<16xi32>, vector<16xi32>], vector<16xf32>,
      %mul3A_59 = arith.mulf %scan3A_34#3, %scan3A_34#3 : vector<16xf32>
      %sub3A_60 = arith.subf %mul3A_59, %scan3A_34#20 : vector<16xf32>
      %mul3A_61 = arith.constant 5.000000e-01 : f32
      %mul3A_62 = vector.broadcast %mul3A_61 : f32 to vector<16xf32>
      %mul3A_63 = arith.mulf %mul3A_62, %sub3A_60 : vector<16xf32>
      %add3A_64 = arith.constant 4 : i32
      %add3A_65 = vector.broadcast %add3A_64 : i32 to vector<16xi32>
      %add3A_66 = arith.addi %broadcast_in_dim3A_3, %add3A_65 : vector<16xi32>
      tpu.vector_store_idx %arg9[%add3A_29, %add3A_66], %mul3A_63 : memref<128x17xf32, #tpu.memory_space<vmem>>[vector<16xi32>, vector<16xi32>], vector<16xf32>,
      %mul3A_67 = arith.mulf %scan3A_34#4, %scan3A_34#4 : vector<16xf32>
      %sub3A_68 = arith.subf %mul3A_67, %scan3A_34#21 : vector<16xf32>
      %mul3A_69 = arith.constant 5.000000e-01 : f32
      %mul3A_70 = vector.broadcast %mul3A_69 : f32 to vector<16xf32>
      %mul3A_71 = arith.mulf %mul3A_70, %sub3A_68 : vector<16xf32>
      %add3A_72 = arith.constant 5 : i32
      %add3A_73 = vector.broadcast %add3A_72 : i32 to vector<16xi32>
      %add3A_74 = arith.addi %broadcast_in_dim3A_3, %add3A_73 : vector<16xi32>
      tpu.vector_store_idx %arg9[%add3A_29, %add3A_74], %mul3A_71 : memref<128x17xf32, #tpu.memory_space<vmem>>[vector<16xi32>, vector<16xi32>], vector<16xf32>,
      %mul3A_75 = arith.mulf %scan3A_34#5, %scan3A_34#5 : vector<16xf32>
      %sub3A_76 = arith.subf %mul3A_75, %scan3A_34#22 : vector<16xf32>
      %mul3A_77 = arith.constant 5.000000e-01 : f32
      %mul3A_78 = vector.broadcast %mul3A_77 : f32 to vector<16xf32>
      %mul3A_79 = arith.mulf %mul3A_78, %sub3A_76 : vector<16xf32>
      %add3A_80 = arith.constant 6 : i32
      %add3A_81 = vector.broadcast %add3A_80 : i32 to vector<16xi32>
      %add3A_82 = arith.addi %broadcast_in_dim3A_3, %add3A_81 : vector<16xi32>
      tpu.vector_store_idx %arg9[%add3A_29, %add3A_82], %mul3A_79 : memref<128x17xf32, #tpu.memory_space<vmem>>[vector<16xi32>, vector<16xi32>], vector<16xf32>,
      %mul3A_83 = arith.mulf %scan3A_34#6, %scan3A_34#6 : vector<16xf32>
      %sub3A_84 = arith.subf %mul3A_83, %scan3A_34#23 : vector<16xf32>
      %mul3A_85 = arith.constant 5.000000e-01 : f32
      %mul3A_86 = vector.broadcast %mul3A_85 : f32 to vector<16xf32>
      %mul3A_87 = arith.mulf %mul3A_86, %sub3A_84 : vector<16xf32>
      %add3A_88 = arith.constant 7 : i32
      %add3A_89 = vector.broadcast %add3A_88 : i32 to vector<16xi32>
      %add3A_90 = arith.addi %broadcast_in_dim3A_3, %add3A_89 : vector<16xi32>
      tpu.vector_store_idx %arg9[%add3A_29, %add3A_90], %mul3A_87 : memref<128x17xf32, #tpu.memory_space<vmem>>[vector<16xi32>, vector<16xi32>], vector<16xf32>,
      %mul3A_91 = arith.mulf %scan3A_34#7, %scan3A_34#7 : vector<16xf32>
      %sub3A_92 = arith.subf %mul3A_91, %scan3A_34#24 : vector<16xf32>
      %mul3A_93 = arith.constant 5.000000e-01 : f32
      %mul3A_94 = vector.broadcast %mul3A_93 : f32 to vector<16xf32>
      %mul3A_95 = arith.mulf %mul3A_94, %sub3A_92 : vector<16xf32>
      %add3A_96 = arith.constant 8 : i32
      %add3A_97 = vector.broadcast %add3A_96 : i32 to vector<16xi32>
      %add3A_98 = arith.addi %broadcast_in_dim3A_3, %add3A_97 : vector<16xi32>
      tpu.vector_store_idx %arg9[%add3A_29, %add3A_98], %mul3A_95 : memref<128x17xf32, #tpu.memory_space<vmem>>[vector<16xi32>, vector<16xi32>], vector<16xf32>,
      %mul3A_99 = arith.mulf %scan3A_34#8, %scan3A_34#8 : vector<16xf32>
      %sub3A_100 = arith.subf %mul3A_99, %scan3A_34#25 : vector<16xf32>
      %mul3A_101 = arith.constant 5.000000e-01 : f32
      %mul3A_102 = vector.broadcast %mul3A_101 : f32 to vector<16xf32>
      %mul3A_103 = arith.mulf %mul3A_102, %sub3A_100 : vector<16xf32>
      %add3A_104 = arith.constant 9 : i32
      %add3A_105 = vector.broadcast %add3A_104 : i32 to vector<16xi32>
      %add3A_106 = arith.addi %broadcast_in_dim3A_3, %add3A_105 : vector<16xi32>
      tpu.vector_store_idx %arg9[%add3A_29, %add3A_106], %mul3A_103 : memref<128x17xf32, #tpu.memory_space<vmem>>[vector<16xi32>, vector<16xi32>], vector<16xf32>,
      %mul3A_107 = arith.mulf %scan3A_34#9, %scan3A_34#9 : vector<16xf32>
      %sub3A_108 = arith.subf %mul3A_107, %scan3A_34#26 : vector<16xf32>
      %mul3A_109 = arith.constant 5.000000e-01 : f32
      %mul3A_110 = vector.broadcast %mul3A_109 : f32 to vector<16xf32>
      %mul3A_111 = arith.mulf %mul3A_110, %sub3A_108 : vector<16xf32>
      %add3A_112 = arith.constant 10 : i32
      %add3A_113 = vector.broadcast %add3A_112 : i32 to vector<16xi32>
      %add3A_114 = arith.addi %broadcast_in_dim3A_3, %add3A_113 : vector<16xi32>
      tpu.vector_store_idx %arg9[%add3A_29, %add3A_114], %mul3A_111 : memref<128x17xf32, #tpu.memory_space<vmem>>[vector<16xi32>, vector<16xi32>], vector<16xf32>,
      %mul3A_115 = arith.mulf %scan3A_34#10, %scan3A_34#10 : vector<16xf32>
      %sub3A_116 = arith.subf %mul3A_115, %scan3A_34#27 : vector<16xf32>
      %mul3A_117 = arith.constant 5.000000e-01 : f32
      %mul3A_118 = vector.broadcast %mul3A_117 : f32 to vector<16xf32>
      %mul3A_119 = arith.mulf %mul3A_118, %sub3A_116 : vector<16xf32>
      %add3A_120 = arith.constant 11 : i32
      %add3A_121 = vector.broadcast %add3A_120 : i32 to vector<16xi32>
      %add3A_122 = arith.addi %broadcast_in_dim3A_3, %add3A_121 : vector<16xi32>
      tpu.vector_store_idx %arg9[%add3A_29, %add3A_122], %mul3A_119 : memref<128x17xf32, #tpu.memory_space<vmem>>[vector<16xi32>, vector<16xi32>], vector<16xf32>,
      %mul3A_123 = arith.mulf %scan3A_34#11, %scan3A_34#11 : vector<16xf32>
      %sub3A_124 = arith.subf %mul3A_123, %scan3A_34#28 : vector<16xf32>
      %mul3A_125 = arith.constant 5.000000e-01 : f32
      %mul3A_126 = vector.broadcast %mul3A_125 : f32 to vector<16xf32>
      %mul3A_127 = arith.mulf %mul3A_126, %sub3A_124 : vector<16xf32>
      %add3A_128 = arith.constant 12 : i32
      %add3A_129 = vector.broadcast %add3A_128 : i32 to vector<16xi32>
      %add3A_130 = arith.addi %broadcast_in_dim3A_3, %add3A_129 : vector<16xi32>
      tpu.vector_store_idx %arg9[%add3A_29, %add3A_130], %mul3A_127 : memref<128x17xf32, #tpu.memory_space<vmem>>[vector<16xi32>, vector<16xi32>], vector<16xf32>,
      %mul3A_131 = arith.mulf %scan3A_34#12, %scan3A_34#12 : vector<16xf32>
      %sub3A_132 = arith.subf %mul3A_131, %scan3A_34#29 : vector<16xf32>
      %mul3A_133 = arith.constant 5.000000e-01 : f32
      %mul3A_134 = vector.broadcast %mul3A_133 : f32 to vector<16xf32>
      %mul3A_135 = arith.mulf %mul3A_134, %sub3A_132 : vector<16xf32>
      %add3A_136 = arith.constant 13 : i32
      %add3A_137 = vector.broadcast %add3A_136 : i32 to vector<16xi32>
      %add3A_138 = arith.addi %broadcast_in_dim3A_3, %add3A_137 : vector<16xi32>
      tpu.vector_store_idx %arg9[%add3A_29, %add3A_138], %mul3A_135 : memref<128x17xf32, #tpu.memory_space<vmem>>[vector<16xi32>, vector<16xi32>], vector<16xf32>,
      %mul3A_139 = arith.mulf %scan3A_34#13, %scan3A_34#13 : vector<16xf32>
      %sub3A_140 = arith.subf %mul3A_139, %scan3A_34#30 : vector<16xf32>
      %mul3A_141 = arith.constant 5.000000e-01 : f32
      %mul3A_142 = vector.broadcast %mul3A_141 : f32 to vector<16xf32>
      %mul3A_143 = arith.mulf %mul3A_142, %sub3A_140 : vector<16xf32>
      %add3A_144 = arith.constant 14 : i32
      %add3A_145 = vector.broadcast %add3A_144 : i32 to vector<16xi32>
      %add3A_146 = arith.addi %broadcast_in_dim3A_3, %add3A_145 : vector<16xi32>
      tpu.vector_store_idx %arg9[%add3A_29, %add3A_146], %mul3A_143 : memref<128x17xf32, #tpu.memory_space<vmem>>[vector<16xi32>, vector<16xi32>], vector<16xf32>,
      %mul3A_147 = arith.mulf %scan3A_34#14, %scan3A_34#14 : vector<16xf32>
      %sub3A_148 = arith.subf %mul3A_147, %scan3A_34#31 : vector<16xf32>
      %mul3A_149 = arith.constant 5.000000e-01 : f32
      %mul3A_150 = vector.broadcast %mul3A_149 : f32 to vector<16xf32>
      %mul3A_151 = arith.mulf %mul3A_150, %sub3A_148 : vector<16xf32>
      %add3A_152 = arith.constant 15 : i32
      %add3A_153 = vector.broadcast %add3A_152 : i32 to vector<16xi32>
      %add3A_154 = arith.addi %broadcast_in_dim3A_3, %add3A_153 : vector<16xi32>
      tpu.vector_store_idx %arg9[%add3A_29, %add3A_154], %mul3A_151 : memref<128x17xf32, #tpu.memory_space<vmem>>[vector<16xi32>, vector<16xi32>], vector<16xf32>,
      %mul3A_155 = arith.mulf %scan3A_34#15, %scan3A_34#15 : vector<16xf32>
      %sub3A_156 = arith.subf %mul3A_155, %scan3A_34#32 : vector<16xf32>
      %mul3A_157 = arith.constant 5.000000e-01 : f32
      %mul3A_158 = vector.broadcast %mul3A_157 : f32 to vector<16xf32>
      %mul3A_159 = arith.mulf %mul3A_158, %sub3A_156 : vector<16xf32>
      %add3A_160 = arith.constant 16 : i32
      %add3A_161 = vector.broadcast %add3A_160 : i32 to vector<16xi32>
      %add3A_162 = arith.addi %broadcast_in_dim3A_3, %add3A_161 : vector<16xi32>
      tpu.vector_store_idx %arg9[%add3A_29, %add3A_162], %mul3A_159 : memref<128x17xf32, #tpu.memory_space<vmem>>[vector<16xi32>, vector<16xi32>], vector<16xf32>,
    }
    %scan3A_22 = arith.constant 8 : i32
    %mul3A_23 = arith.constant 128 : i32
    %mul3A_24 = arith.muli %add3A, %mul3A_23 : i32
    "tpu.region"() ({
      %run_scoped3A = tpu.sem_alloc : memref<!tpu.dma_semaphore, #tpu.memory_space<semaphore_mem>>
      %dma_start3A = arith.constant 0 : i32
      %dma_start3A_25 = tpu.memref_slice %arg4[%mul3A_24, %dma_start3A] : memref<4096x17xf32, #tpu.memory_space<hbm>> -> memref<128x17xf32, #tpu.memory_space<hbm>>
      %dma_start3A_26 = arith.constant 0 : i32
      %dma_start3A_27 = tpu.memref_slice %arg4[%mul3A_24, %dma_start3A_26] : memref<4096x17xf32, #tpu.memory_space<hbm>> -> memref<128x17xf32, #tpu.memory_space<hbm>>
      tpu.enqueue_dma source(%arg9 : memref<128x17xf32, #tpu.memory_space<vmem>>) target(%dma_start3A_27 : memref<128x17xf32, #tpu.memory_space<hbm>>) target_semaphore(%run_scoped3A : memref<!tpu.dma_semaphore, #tpu.memory_space<semaphore_mem>>)
      %dma_wait3A = arith.constant 0 : i32
      %dma_wait3A_28 = tpu.memref_slice %arg4[%mul3A_24, %dma_wait3A] : memref<4096x17xf32, #tpu.memory_space<hbm>> -> memref<128x17xf32, #tpu.memory_space<hbm>>
      %dma_wait3A_29 = arith.constant 0 : i32
      %dma_wait3A_30 = tpu.memref_slice %arg4[%mul3A_24, %dma_wait3A_29] : memref<4096x17xf32, #tpu.memory_space<hbm>> -> memref<128x17xf32, #tpu.memory_space<hbm>>
      tpu.wait_dma2 semaphore(%run_scoped3A : memref<!tpu.dma_semaphore, #tpu.memory_space<semaphore_mem>>) src(%arg9 : memref<128x17xf32, #tpu.memory_space<vmem>>) dst(%dma_wait3A_30 : memref<128x17xf32, #tpu.memory_space<hbm>>)
      tpu.yield
    }) : () -> ()
    return
  }
}

module attributes {stable_mosaic.version = 14 : i64} {
  func.func @_relayout_body(%arg0: i32, %arg1: memref<17x57344xf32, #tpu.memory_space<vmem>>, %arg2: memref<8192x128xf32, #tpu.memory_space<vmem>>) attributes {dimension_semantics = [#tpu.dimension_semantics<arbitrary>], iteration_bounds = array<i64: 18>, scalar_prefetch = 0 : i64, scratch_operands = 0 : i64, tpu.core_type = #tpu.core_type<tc>, window_params = [{transform_indices = @transform_0, window_bounds = array<i64: 17, 57344>}, {transform_indices = @transform_1, window_bounds = array<i64: 8192, 128>}]} {
    %get3A = arith.constant 0 : index
    %get3A_0 = arith.constant 0 : index
    %get3A_1 = vector.load %arg1[%get3A, %get3A_0] : memref<17x57344xf32, #tpu.memory_space<vmem>>, vector<17x57344xf32>
    %slice3A = vector.extract_strided_slice %get3A_1 {offsets = [0, 0], sizes = [17, 8192], strides = [1, 1]} : vector<17x57344xf32> to vector<17x8192xf32>
    %slice3A_2 = vector.extract_strided_slice %get3A_1 {offsets = [0, 8192], sizes = [17, 8192], strides = [1, 1]} : vector<17x57344xf32> to vector<17x8192xf32>
    %slice3A_3 = vector.extract_strided_slice %get3A_1 {offsets = [0, 16384], sizes = [17, 8192], strides = [1, 1]} : vector<17x57344xf32> to vector<17x8192xf32>
    %slice3A_4 = vector.extract_strided_slice %get3A_1 {offsets = [0, 24576], sizes = [17, 8192], strides = [1, 1]} : vector<17x57344xf32> to vector<17x8192xf32>
    %slice3A_5 = vector.extract_strided_slice %get3A_1 {offsets = [0, 32768], sizes = [17, 8192], strides = [1, 1]} : vector<17x57344xf32> to vector<17x8192xf32>
    %slice3A_6 = vector.extract_strided_slice %get3A_1 {offsets = [0, 40960], sizes = [17, 8192], strides = [1, 1]} : vector<17x57344xf32> to vector<17x8192xf32>
    %slice3A_7 = vector.extract_strided_slice %get3A_1 {offsets = [0, 49152], sizes = [17, 8192], strides = [1, 1]} : vector<17x57344xf32> to vector<17x8192xf32>
    %concatenate3A = tpu.concatenate %slice3A, %slice3A_2, %slice3A_3, %slice3A_4, %slice3A_5, %slice3A_6, %slice3A_7 in 0 : vector<17x8192xf32>, vector<17x8192xf32>, vector<17x8192xf32>, vector<17x8192xf32>, vector<17x8192xf32>, vector<17x8192xf32>, vector<17x8192xf32> -> vector<119x8192xf32>
    %transpose3A = tpu.transpose %concatenate3A, [1, 0] : vector<119x8192xf32> -> vector<8192x119xf32>
    %swap3A = arith.constant 0 : index
    %swap3A_8 = arith.constant 0 : index
    %swap3A_9 = vector.load %arg2[%swap3A, %swap3A_8] : memref<8192x128xf32, #tpu.memory_space<vmem>>, vector<8192x119xf32>
    tpu.vector_store %arg2[%swap3A, %swap3A_8], %transpose3A {strides = array<i32>} : memref<8192x128xf32, #tpu.memory_space<vmem>>, vector<8192x119xf32>,
    return
  }
  func.func @transform_0(%arg0: i32) -> (i32, i32) {
    %c0_i32 = arith.constant 0 : i32
    %c0_i32_0 = arith.constant 0 : i32
    return %c0_i32, %arg0 : i32, i32
  }
  func.func @transform_1(%arg0: i32) -> (i32, i32) {
    %c0_i32 = arith.constant 0 : i32
    %c0_i32_0 = arith.constant 0 : i32
    return %arg0, %c0_i32 : i32, i32
  }
}

</mosaic_0001>

<sc_bundles>
// kernel: kernel.5.cloned.1.call-start
scs
__scs_entry_jumppad:
0x0: {  	(pc) =	sbr.rel $0x88, $3  }
0x1: {  	(tag) =	ssettag $0x0;
	lr =	simm.s32 $0x1  }
0x2: {  	[smem:$0x3F9F] =	sst lr;
	_ =	strace $0xD0000000  }
0x3: {  	_ = 	snop  }
0x4: {  	_ = 	snop  }
0x5: {  	_ = 	snop  }
0x6: {  	_ = 	snop  }
0x7: {  	_ = 	snop  }
__scs_overlays_trampoline_lowered:
0x8: {  	[smem:$0x3FAE] =	sst s0  }
0x9: {  	[smem:$0x3FAF] =	sst s1  }
0xa: {  	[smem:$0x3FB0] =	sst s2  }
0xb: {  	[smem:$0x3FB1] =	sst s3  }
0xc: {  	[smem:$0x3FB2] =	sst s4  }
0xd: {  	[smem:$0x3FB3] =	sst s5  }
0xe: {  	[smem:$0x3FB4] =	sst s6  }
0xf: {  	[smem:$0x3FB5] =	sst s7  }
0x10: {  	[smem:$0x3FB6] =	sst s8  }
0x11: {  	[smem:$0x3FB7] =	sst s9;
	s0 =	simm.s32 @!p0 $0x0  }
0x12: {  	s1 =	sld [smem:$0x3F9D];
	s0 =	simm.s32 @p0 $0x1  }
0x13: {  	[smem:$0x3FB8] =	sst s0;
	s0 =	simm.s32 @!p1 $0x0  }
0x14: {  	s2 =	sld [smem:$0x3F9C];
	s0 =	simm.s32 @p1 $0x1  }
0x15: {  	[smem:$0x3FB9] =	sst s0;
	s0 =	simm.s32 @!p2 $0x0  }
0x16: {  	s3 =	sld [smem:$0x3FDB];
	s0 =	simm.s32 @p2 $0x1  }
0x17: {  	s4 =	simm.s32 $0x1BF5;
	[smem:$0x3FBB] =	sst s0  }
0x18: {  	s0 =	sld [smem:$0x3F9E];
	_ =	swait.ge [sflag:s4], $0x0  }
0x19: {  	s7 =	sld [smem:$0x3F9F]  }
0x1a: {  	s8 =	sadd.s32 $0xFFFFE003, lr  }
0x1b: {  	s9 =	sadd.s32 $0xFFFFFEF7, lr;
	s5 =	simm.s32 $0xFFFFFFFF;
	p2 =	slt.u32 s8, $0xFFFFF086  }
0x1c: {  	p1 =	slt.u32 s9, $0xF7A;
	s5 =	simm.s32 @!p2 $0x0  }
0x1d: {  	s5 =	simm.s32 @p1 $0x1;
	p0 =	seq.s32 s7, s2  }
0x1e: {  	s7 =	smul.u32 @!p0 $0xF7A, s2;
	p2 =	seq.s32 @!p0 s5, $0x0  }
0x1f: {  	s9 =	smul.u32 $0xF7A, s1;
	s8 =	simm.s32 @!p0 $0x1BF5;
	p2 =	por !p2, p0  }
0x20: {  	[sflag:s8] =	ssyncset.s32 @!p0 $0xFFFFF086;
	s6 =	sadd.s32 @!p0 s3, s7;
	s7 =	simm.s32 @!p0 $0x108  }
0x21: {  	s3 =	sadd.s32 s3, s9;
	s6 =	sadd.s32 @!p0 $0x88, s6;
	s7 =	simm.s32 @p2 $0x1082  }
0x22: {  	[simem:s7], [sflag:s8] =	dma.local @!p0 [hbm:s6], $0xF7A  }
0x23: {  	s9 =	sor.u32 $0xD0000000, s2;
	s6 =	simm.s32 $0x108;
	_ =	swait.ge @!p0 [sflag:s8], $0x0  }
0x24: {  	s3 =	sadd.s32 $0x88, s3;
	s6 =	simm.s32 @!p1 $0x1082;
	[sflag:s4] =	ssyncset.s32 $0xFFFFF086  }
0x25: {  	[simem:s6], [sflag:s4] =	dma.local [hbm:s3], $0xF7A  }
0x26: {  	[smem:$0x3F9F] =	sst s1;
	(tag) =	ssettag s2;
	_ =	strace s9  }
0x27: {  	s1 =	sld [smem:$0x3FAF]  }
0x28: {  	s2 =	sld [smem:$0x3FB0]  }
0x29: {  	s4 =	sld [smem:$0x3FB2]  }
0x2a: {  	p0 =	seq.s32 s5, $0x0;
	s5 =	sld [smem:$0x3FB3]  }
0x2b: {  	s6 =	sld [smem:$0x3FB4]  }
0x2c: {  	s7 =	sld [smem:$0x3FB5]  }
0x2d: {  	s3 =	simm.s32 $0x108;
	s8 =	sld [smem:$0x3FB6]  }
0x2e: {  	s3 =	simm.s32 @!p0 $0x1082;
	s9 =	sld [smem:$0x3FB7]  }
0x2f: {  	lr =	sadd.s32 s0, s3;
	s0 =	sld [smem:$0x3FAE]  }
0x30: {  	s3 =	sld [smem:$0x3FB1]  }
0x31: {  	[smem:$0x3FBA] =	sst s10  }
0x32: {  	s10 =	sld [smem:$0x3FB8];
	_ =	sdelay $0x3  }
0x33: {  	p0 =	seq.s32 s10, $0x1;
	s10 =	sld [smem:$0x3FBA];
	_ =	sdelay $0x3  }
0x34: {  	[smem:$0x3FBA] =	sst s10  }
0x35: {  	s10 =	sld [smem:$0x3FB9];
	_ =	sdelay $0x3  }
0x36: {  	p1 =	seq.s32 s10, $0x1;
	s10 =	sld [smem:$0x3FBA];
	_ =	sdelay $0x3  }
0x37: {  	[smem:$0x3FBA] =	sst s10  }
0x38: {  	s10 =	sld [smem:$0x3FBB]  }
0x39: {  	_ = 	snop;
	(pc) =	sbr.ind lr, $3  }
0x3a: {  	_ = 	snop  }
0x3b: {  	_ = 	snop  }
0x3c: {  	p2 =	seq.s32 s10, $0x1;
	s10 =	sld [smem:$0x3FBA]  }
0x3d: {  	_ =	shalt  }
0x3e: {  	_ =	shalt  }
0x3f: {  	_ =	shalt  }
0x40: {  	_ =	shalt  }
0x41: {  	_ =	shalt  }
0x42: {  	_ =	shalt  }
0x43: {  	_ =	shalt  }
0x44: {  	_ =	shalt  }
0x45: {  	_ =	shalt  }
0x46: {  	_ =	shalt  }
0x47: {  	_ =	shalt  }
0x48: {  	_ =	shalt  }
0x49: {  	_ =	shalt  }
0x4a: {  	_ =	shalt  }
0x4b: {  	_ =	shalt  }
0x4c: {  	_ =	shalt  }
0x4d: {  	_ =	shalt  }
0x4e: {  	_ =	shalt  }
0x4f: {  	_ =	shalt  }
0x50: {  	_ =	shalt  }
0x51: {  	_ =	shalt  }
0x52: {  	_ =	shalt  }
0x53: {  	_ =	shalt  }
0x54: {  	_ =	shalt  }
0x55: {  	_ =	shalt  }
0x56: {  	_ =	shalt  }
0x57: {  	_ =	shalt  }
0x58: {  	_ =	shalt  }
0x59: {  	_ =	shalt  }
0x5a: {  	_ =	shalt  }
0x5b: {  	_ =	shalt  }
0x5c: {  	_ =	shalt  }
0x5d: {  	_ =	shalt  }
0x5e: {  	_ =	shalt  }
0x5f: {  	_ =	shalt  }
0x60: {  	_ =	shalt  }
0x61: {  	_ =	shalt  }
0x62: {  	_ =	shalt  }
0x63: {  	_ =	shalt  }
0x64: {  	_ =	shalt  }
0x65: {  	_ =	shalt  }
0x66: {  	_ =	shalt  }
0x67: {  	_ =	shalt  }
0x68: {  	_ =	shalt  }
0x69: {  	_ =	shalt  }
0x6a: {  	_ =	shalt  }
0x6b: {  	_ =	shalt  }
0x6c: {  	_ =	shalt  }
0x6d: {  	_ =	shalt  }
0x6e: {  	_ =	shalt  }
0x6f: {  	_ =	shalt  }
0x70: {  	_ =	shalt  }
0x71: {  	_ =	shalt  }
0x72: {  	_ =	shalt  }
0x73: {  	_ =	shalt  }
0x74: {  	_ =	shalt  }
0x75: {  	_ =	shalt  }
0x76: {  	_ =	shalt  }
0x77: {  	_ =	shalt  }
0x78: {  	_ =	shalt  }
0x79: {  	_ =	shalt  }
0x7a: {  	_ =	shalt  }
0x7b: {  	_ =	shalt  }
0x7c: {  	_ =	shalt  }
0x7d: {  	_ =	shalt  }
0x7e: {  	_ =	shalt  }
0x7f: {  	_ =	shalt  }
0x80: {  	_ =	shalt  }
0x81: {  	_ =	shalt  }
0x82: {  	_ =	shalt  }
0x83: {  	_ =	shalt  }
0x84: {  	_ =	shalt  }
0x85: {  	_ =	shalt  }
0x86: {  	_ =	shalt  }
0x87: {  	_ =	shalt  }
.Lfunc_end0:
.L_simem_size_0:
called_computation_lowered:
.L_overlay_start_0:
0x88: {  	s2 =	sld [smem:$0x3FD9]  }
0x89: {  	s3 =	sld [smem:$0x3FFE];
	_ =	sdelay $0x1  }
0x8a: {  	s1 =	srdreg.scid  }
0x8b: {  	s0 =	sand.u32 $0x1, s1  }
0x8c: {  	s17 =	sshll.u32 s0, $0xA;
	s2 =	sadd.s32 s3, s2  }
0x8d: {  	s2 =	sadd.s32 s2, s17  }
0x8e: {  	[smem:$0x3FC6] =	sst s2  }
0x8f: {  	_ = 	snop  }
0x90: {  	s2 =	sld [smem:$0x3FD0];
	(tm) =	ssettm $0x1  }
0x91: {  	s18 =	sld [smem:$0x3FFB];
	_ =	sdelay $0x3  }
0x92: {  	_ =	strace s18  }
0x93: {  	s3 =	sld [smem:$0x3FFC];
	_ =	sdelay $0x3  }
0x94: {  	_ =	strace s3  }
0x95: {  	s3 =	sld [smem:$0x3FFD];
	_ =	sdelay $0x3  }
0x96: {  	_ =	strace s3  }
0x97: {  	_ =	strace $0x8FFFFFFF  }
0x98: {  	s19 =	sld [smem:$0x3FDB];
	_ =	sdelay $0x1  }
0x99: {  	s4 =	simm.s32 $_scs_section_size  }
0x9a: {  	s5 =	simm.s32 $_size__tile_overlayer_lowered;
	s6 =	simm.s32 $_tile_overlayer_lowered  }
0x9b: {  	s22 =	simm.s32 $0x1BFF;
	s21 =	sshll.u32 s6, $0x1;
	s3 =	sadd.s32 s4, s19  }
0x9c: {  	s7 =	simm.s32 $0x0;
	s20 =	sshll.u32 s5, $0x1;
	s5 =	sadd.s32 s21, s3  }
0x9d: {  	[timem:s7], [sflag:s22] =	dma.local [hbm:s5], s20  }
0x9e: {  	_ =	swait.ge [sflag:s22], s20  }
0x9f: {  	s4 =	ssub.s32 $0x0, s20;
	[sflag:s22] =	ssyncset.done $0x0  }
0xa0: {  	[sflag:s22] =	ssyncadd.s32 s4;
	_ =	sdelay $0x1  }
0xa1: {  	s23 =	simm.s32 $0x1B8B  }
0xa2: {  	_ =	swait.ge [sflag:s23], $0x1  }
0xa3: {  	[sflag:s23] =	ssyncset.done $0x0  }
0xa4: {  	s25 =	simm.s32 $0x1B8E;
	s24 =	sld [smem:$0x3FFE];
	[sflag:s23] =	ssyncadd.s32 $0xFFFFFFFF  }
0xa5: {  	s26 =	simm.s32 $execute0_lowered;
	[smem:$0x3FD2] =	sst s25  }
0xa6: {  	s5 =	sshll.u32 s26, $0x1;
	_ =	strace $0x80000046;
	[dreg:$0x1] =	wrdreg $0xFFFFFFFF  }
0xa7: {  	s28 =	simm.s32 $_size_execute0_lowered;
	s3 =	sadd.s32 s3, s5;
	[dreg:$0x0] =	wrdreg $0x0  }
0xa8: {  	s5 =	sshll.u32 s28, $0x1;
	[dreg:$0x2] =	wrdreg s3  }
0xa9: {  	[dreg:$0x3] =	wrdreg s5  }
0xaa: {  	[dreg:$0x4] =	wrdreg $0xC0  }
0xab: {  	_ =	task [dreg:s7], $0x5FFFF  }
0xac: {  	[dreg:$0x1] =	wrdreg $0xFFFFFFFF  }
0xad: {  	[dreg:$0x0] =	wrdreg $0x60  }
0xae: {  	[dreg:$0x2] =	wrdreg s24  }
0xaf: {  	[dreg:$0x3] =	wrdreg s2  }
0xb0: {  	[dreg:$0x4] =	wrdreg $0x9  }
0xb1: {  	_ =	task.clear_ibuf [dreg:s7], $0x5FFFF;
	_ =	strace $0x90000046  }
0xb2: {  	s29 =	simm.s32 $0x9;
	_ =	strace $0x80000048  }
0xb3: {  	_ =	swait.ge [sflag:s29], $0x1  }
0xb4: {  	[sflag:s29] =	ssyncadd.s32 $0xFFFFFFFF  }
0xb5: {  	_ =	strace $0x90000048  }
0xb6: {  	_ =	sfence  }
0xb7: {  	s30 =	sld [smem:$0x0];
	_ =	sdelay $0x2  }
0xb8: {  	s31 =	sshll.u32 s1, $0xD;
	s1 =	sshrl.u32 s1, $0x2  }
0xb9: {  	s3 =	sand.u32 $0x4000, s31;
	s1 =	sadd.s32 s1, s30  }
0xba: {  	s0 =	sor.u32 s3, s0;
	s1 =	sshll.u32 s1, $0x11  }
0xbb: {  	s0 =	sor.u32 s1, s0  }
0xbc: {  	s0 =	sadd.s32 $0x8F2B, s0  }
0xbd: {  	[sflag:s0] =	ssyncadd.remote.s32 $0x1  }
0xbe: {  	_ =	sfence.sel $0xFFFF  }
0xbf: {  	[dreg:$0x0] =	wrdreg $0xFFFFFFFF;
	(pc) =	sbr.abs _section_cstart, $3  }
0xc0: {  	[dreg:$0x1] =	wrdreg $0xFFFFFFFF  }
0xc1: {  	_ =	task.clear_ibuf [dreg:s7], $0x2FFFF;
	_ =	strace $0x9FFFFFFF  }
0xc2: {  	(tm) =	ssettm $0x7FFFFFFF  }
0xc3: {  	_ =	shalt  }
tec
execute0_lowered:
.L_overlay_start_1:
0x0: {  	(tag) =	ssettag $0x1  }
0x1: {  	s4 =	rddreg [dreg:$0x0];
	v0 =	vlaneseq.u32  }
0x2: {  	s5 =	rddreg [dreg:$0x1];
	s2 =	simm.s32 $0x0;
	v1 =	vmul.u32 $0x20, v0  }
0x3: {  	[smem:$0x7FF] =	sst s2  }
0x4: {  	s0 =	rddreg [dreg:$0x2];
	s3 =	srdreg.scid;
	_ =	strace $0x80000047;
	v2 =	vor.u32 $0x200, v1;
	[tilespmem:$0x1FF80] =	vst v1  }
0x5: {  	s1 =	stileid.u32;
	s10 =	simm.s32 $0x2A00;
	s3 =	sand.u32 $0x1, s3;
	v3 =	vor.u32 $0x400, v1;
	[tilespmem:$0x1FF90] =	vst v2  }
0x6: {  	s11 =	simm.s32 $0x1CA00;
	s6 =	sshll.u32 s1, $0x8;
	s7 =	sshll.u32 s3, $0x7;
	v4 =	vor.u32 $0x600, v1;
	[tilespmem:$0x1FFA0] =	vst v3  }
0x7: {  	s12 =	simm.s32 $0x0;
	s31 =	ssub.s32 $0x2, s3;
	s6 =	sor.u32 s7, s6;
	v5 =	vor.u32 $0x800, v1;
	[tilespmem:$0x1FFB0] =	vst v4  }
0x8: {  	s3 =	sadd.s32 $0x4400, s4;
	s9 =	sshrl.u32 s31, $0x1;
	v6 =	vor.u32 $0xA00, v1;
	s8 =	sshll.u32 s6, $0x2;
	[tilespmem:$0x1FFC0] =	vst v5  }
0x9: {  	v7 =	vor.u32 $0xC00, v1;
	s6 =	smul.u32 $0x3, s6;
	s7 =	ssub.s32 s31, s9;
	[tilespmem:$0x1FFD0] =	vst v6;
	s4 =	sadd.s32 s8, s4  }
0xa: {  	v8 =	vor.u32 $0xE00, v1;
	s9 =	simm.s32 $0x1;
	[tilespmem:$0x1FFE0] =	vst v7;
	s8 =	simm.s32 $0x80;
	s4 =	sadd.s32 $0x400, s4  }
0xb: {  	[tilespmem:$0x1FFF0] =	vst v8;
	s5 =	sadd.s32 s5, s6;
	s6 =	smax.u32 s7, $0x1;
	s7 =	simm.s32 $0x2  }
.LBB2_1:
0xc: {  	v0 =	vmov s2  }
0xd: {  	v0 =	vand.u32 $0x1F, v0  }
0xe: {  	v0 =	vbroadcast v0, $0x0;
	_ =	sdelay $0x1  }
0xf: {  	v9 =	vor.u32 v1, v0  }
0x10: {  	[tilespmem:s2], [sflag:$0x2] =	stream.linear.gather [hbm4b:s4+s2], $0x1000, $0x38;
	[tilespmem:$0x1D600] =	vst v63  }
0x11: {  	_ =	swait.ge [sflag:s7], $0x1000  }
0x12: {  	[sflag:s7] =	ssyncset.done $0x0  }
0x13: {  	[sflag:s7] =	ssyncadd.s32 $0xFFFFF000  }
0x14: {  	v9 =	vld.idx.msk [tilespmem:v9+s2+$0x0], $0xffff;
	_ =	sdelay $0x4  }
0x15: {  	v10 =	vshra.s32 v9, $0xD  }
0x16: {  	v11 =	vmul.u32 $0x2493, v10;
	_ =	sdelay $0x1  }
0x17: {  	v12 =	vshra.s32 v11, $0x10  }
0x18: {  	v9 =	vshll.u32 v9, $0x3;
	v12 =	vmul.u32 $0xFFFFFFF9, v12  }
0x19: {  	v13 =	vor.u32 v2, v0;
	v9 =	vand.u32 $0xFFF8, v9;
	v11 =	vand.u32 $0xFFFF0000, v11  }
0x1a: {  	v9 =	vor.u32 v9, v11;
	v10 =	vadd.s32 v10, v12  }
0x1b: {  	s13 =	simm.s32 $0x0;
	v9 =	vadd.s32 v9, v10  }
0x1c: {  	[tilespmem:s13+$0x1000] =	vst v9;
	v9 =	vadd.s32 $0x1, v9  }
0x1d: {  	[tilespmem:s13+$0x1D00] =	vst v9  }
0x1e: {  	v9 =	vld.idx.msk [tilespmem:v13+s2+$0x0], $0xffff;
	_ =	sdelay $0x4  }
0x1f: {  	v10 =	vshra.s32 v9, $0xD  }
0x20: {  	v11 =	vmul.u32 $0x2493, v10;
	_ =	sdelay $0x1  }
0x21: {  	v53 =	vshra.s32 v11, $0x10  }
0x22: {  	v9 =	vshll.u32 v9, $0x3;
	v12 =	vmul.u32 $0xFFFFFFF9, v53  }
0x23: {  	v54 =	vor.u32 v3, v0;
	v9 =	vand.u32 $0xFFF8, v9;
	v11 =	vand.u32 $0xFFFF0000, v11  }
0x24: {  	v9 =	vor.u32 v9, v11;
	v10 =	vadd.s32 v10, v12  }
0x25: {  	v9 =	vadd.s32 v9, v10  }
0x26: {  	[tilespmem:s13+$0x1010] =	vst v9;
	v9 =	vadd.s32 $0x1, v9  }
0x27: {  	[tilespmem:s13+$0x1D10] =	vst v9  }
0x28: {  	v9 =	vld.idx.msk [tilespmem:v54+s2+$0x0], $0xffff;
	_ =	sdelay $0x4  }
0x29: {  	v10 =	vshra.s32 v9, $0xD  }
0x2a: {  	v11 =	vmul.u32 $0x2493, v10;
	_ =	sdelay $0x1  }
0x2b: {  	v55 =	vshra.s32 v11, $0x10  }
0x2c: {  	v9 =	vshll.u32 v9, $0x3;
	v12 =	vmul.u32 $0xFFFFFFF9, v55  }
0x2d: {  	v56 =	vor.u32 v4, v0;
	v9 =	vand.u32 $0xFFF8, v9;
	v11 =	vand.u32 $0xFFFF0000, v11  }
0x2e: {  	v9 =	vor.u32 v9, v11;
	v10 =	vadd.s32 v10, v12  }
0x2f: {  	v9 =	vadd.s32 v9, v10  }
0x30: {  	[tilespmem:s13+$0x1020] =	vst v9;
	v9 =	vadd.s32 $0x1, v9  }
0x31: {  	[tilespmem:s13+$0x1D20] =	vst v9  }
0x32: {  	v9 =	vld.idx.msk [tilespmem:v56+s2+$0x0], $0xffff;
	_ =	sdelay $0x4  }
0x33: {  	v10 =	vshra.s32 v9, $0xD  }
0x34: {  	v11 =	vmul.u32 $0x2493, v10;
	_ =	sdelay $0x1  }
0x35: {  	v57 =	vshra.s32 v11, $0x10  }
0x36: {  	v9 =	vshll.u32 v9, $0x3;
	v12 =	vmul.u32 $0xFFFFFFF9, v57  }
0x37: {  	v58 =	vor.u32 v5, v0;
	v9 =	vand.u32 $0xFFF8, v9;
	v11 =	vand.u32 $0xFFFF0000, v11  }
0x38: {  	v9 =	vor.u32 v9, v11;
	v10 =	vadd.s32 v10, v12  }
0x39: {  	v9 =	vadd.s32 v9, v10  }
0x3a: {  	[tilespmem:s13+$0x1030] =	vst v9;
	v9 =	vadd.s32 $0x1, v9  }
0x3b: {  	[tilespmem:s13+$0x1D30] =	vst v9  }
0x3c: {  	v9 =	vld.idx.msk [tilespmem:v58+s2+$0x0], $0xffff;
	_ =	sdelay $0x4  }
0x3d: {  	v10 =	vshra.s32 v9, $0xD  }
0x3e: {  	v11 =	vmul.u32 $0x2493, v10;
	_ =	sdelay $0x1  }
0x3f: {  	v59 =	vshra.s32 v11, $0x10  }
0x40: {  	v9 =	vshll.u32 v9, $0x3;
	v12 =	vmul.u32 $0xFFFFFFF9, v59  }
0x41: {  	v60 =	vor.u32 v6, v0;
	v9 =	vand.u32 $0xFFF8, v9;
	v11 =	vand.u32 $0xFFFF0000, v11  }
0x42: {  	v9 =	vor.u32 v9, v11;
	v10 =	vadd.s32 v10, v12  }
0x43: {  	v9 =	vadd.s32 v9, v10  }
0x44: {  	[tilespmem:s13+$0x1040] =	vst v9;
	v9 =	vadd.s32 $0x1, v9  }
0x45: {  	[tilespmem:s13+$0x1D40] =	vst v9  }
0x46: {  	v9 =	vld.idx.msk [tilespmem:v60+s2+$0x0], $0xffff;
	_ =	sdelay $0x4  }
0x47: {  	v10 =	vshra.s32 v9, $0xD  }
0x48: {  	v11 =	vmul.u32 $0x2493, v10;
	_ =	sdelay $0x1  }
0x49: {  	v61 =	vshra.s32 v11, $0x10  }
0x4a: {  	v9 =	vshll.u32 v9, $0x3;
	v12 =	vmul.u32 $0xFFFFFFF9, v61  }
0x4b: {  	v62 =	vor.u32 v7, v0;
	v9 =	vand.u32 $0xFFF8, v9;
	v11 =	vand.u32 $0xFFFF0000, v11  }
0x4c: {  	v9 =	vor.u32 v9, v11;
	v10 =	vadd.s32 v10, v12  }
0x4d: {  	v9 =	vadd.s32 v9, v10  }
0x4e: {  	[tilespmem:s13+$0x1050] =	vst v9;
	v9 =	vadd.s32 $0x1, v9  }
0x4f: {  	[tilespmem:s13+$0x1D50] =	vst v9  }
0x50: {  	v9 =	vld.idx.msk [tilespmem:v62+s2+$0x0], $0xffff;
	_ =	sdelay $0x4  }
0x51: {  	v10 =	vshra.s32 v9, $0xD  }
0x52: {  	v11 =	vmul.u32 $0x2493, v10;
	_ =	sdelay $0x1  }
0x53: {  	v63 =	vshra.s32 v11, $0x10  }
0x54: {  	v9 =	vshll.u32 v9, $0x3;
	v12 =	vmul.u32 $0xFFFFFFF9, v63  }
0x55: {  	v0 =	vor.u32 v8, v0;
	v9 =	vand.u32 $0xFFF8, v9;
	v11 =	vand.u32 $0xFFFF0000, v11  }
0x56: {  	v9 =	vor.u32 v9, v11;
	v10 =	vadd.s32 v10, v12  }
0x57: {  	v9 =	vadd.s32 v9, v10  }
0x58: {  	[tilespmem:s13+$0x1060] =	vst v9;
	v9 =	vadd.s32 $0x1, v9  }
0x59: {  	[tilespmem:s13+$0x1D60] =	vst v9  }
0x5a: {  	v0 =	vld.idx.msk [tilespmem:v0+s2+$0x0], $0xffff;
	_ =	sdelay $0x4  }
0x5b: {  	v9 =	vshra.s32 v0, $0xD  }
0x5c: {  	v10 =	vmul.u32 $0x2493, v9;
	_ =	sdelay $0x1  }
0x5d: {  	v11 =	vshra.s32 v10, $0x10  }
0x5e: {  	v0 =	vshll.u32 v0, $0x3;
	v11 =	vmul.u32 $0xFFFFFFF9, v11  }
0x5f: {  	v0 =	vand.u32 $0xFFF8, v0;
	v10 =	vand.u32 $0xFFFF0000, v10  }
0x60: {  	s15 =	simm.s32 $0x1;
	v0 =	vor.u32 v0, v10;
	v9 =	vadd.s32 v9, v11  }
0x61: {  	v0 =	vadd.s32 v0, v9;
	v9 =	vmov s15  }
0x62: {  	v9 =	vand.u32 $0x1F, v9  }
0x63: {  	v9 =	vbroadcast v9, $0x0  }
0x64: {  	[tilespmem:s13+$0x1070] =	vst v0;
	v0 =	vadd.s32 $0x1, v0  }
0x65: {  	s14 =	simm.s32 $0x1000;
	[tilespmem:s13+$0x1D70] =	vst v0;
	v0 =	vor.u32 v1, v9  }
0x66: {  	s31 =	simm.s32 $0x2A00;
	s17 =	simm.s32 $0x3200;
	s16 =	simm.s32 $0x400  }
0x67: {  	[tilespmem:s31], [sflag:$0x1] =	stream.indirect.gather [hbm4b:s3+s8], $0x10, s14, s8, $0xb8;
	[tilespmem:$0x1D600] =	vst v63  }
0x68: {  	s18 =	simm.s32 $0x1D00;
	s13 =	simm.s32 $0x4200;
	s14 =	simm.s32 $0x200  }
.LBB2_2:
0x69: {  	[tilespmem:s17], [sflag:$0x1] =	stream.indirect.gather [hbm4b:s3+s8], $0x10, s18, s8, $0xb8;
	[tilespmem:$0x1D600] =	vst v63  }
0x6a: {  	p0 =	sne.s32 s16, $0x3200;
	s19 =	smov.u32 s16;
	s16 =	sadd.s32 $0x200, s16;
	v0 =	vld.idx.msk [tilespmem:v0+s2+$0x0], $0xffff  }
0x6b: {  	s17 =	smov.u32 s13;
	_ =	sdelay $0x4  }
0x6c: {  	v10 =	vshra.s32 v0, $0xD;
	v0 =	vshll.u32 v0, $0x3  }
0x6d: {  	v11 =	vmul.u32 $0x2493, v10;
	_ =	sdelay $0x1  }
0x6e: {  	v12 =	vshra.s32 v11, $0x10;
	v11 =	vand.u32 $0xFFFF0000, v11  }
0x6f: {  	v12 =	vmul.u32 $0xFFFFFFF9, v12  }
0x70: {  	v13 =	vor.u32 v2, v9;
	v0 =	vand.u32 $0xFFF8, v0  }
0x71: {  	v0 =	vor.u32 v0, v11;
	v10 =	vadd.s32 v10, v12  }
0x72: {  	s18 =	sshra.s32 s14, $0x2;
	s14 =	smov.u32 s19;
	v0 =	vadd.s32 v0, v10  }
0x73: {  	[tilespmem:s18+$0x1000] =	vst v0;
	v0 =	vadd.s32 $0x1, v0  }
0x74: {  	[tilespmem:s18+$0x1D00] =	vst v0  }
0x75: {  	v0 =	vld.idx.msk [tilespmem:v13+s2+$0x0], $0xffff;
	_ =	sdelay $0x5  }
0x76: {  	v10 =	vshra.s32 v0, $0xD;
	v0 =	vshll.u32 v0, $0x3  }
0x77: {  	v11 =	vmul.u32 $0x2493, v10;
	_ =	sdelay $0x1  }
0x78: {  	v12 =	vshra.s32 v11, $0x10;
	v11 =	vand.u32 $0xFFFF0000, v11  }
0x79: {  	v12 =	vmul.u32 $0xFFFFFFF9, v12  }
0x7a: {  	v13 =	vor.u32 v3, v9;
	v0 =	vand.u32 $0xFFF8, v0  }
0x7b: {  	v0 =	vor.u32 v0, v11;
	v10 =	vadd.s32 v10, v12  }
0x7c: {  	v0 =	vadd.s32 v0, v10  }
0x7d: {  	[tilespmem:s18+$0x1010] =	vst v0;
	v0 =	vadd.s32 $0x1, v0  }
0x7e: {  	[tilespmem:s18+$0x1D10] =	vst v0  }
0x7f: {  	v0 =	vld.idx.msk [tilespmem:v13+s2+$0x0], $0xffff;
	_ =	sdelay $0x5  }
0x80: {  	v10 =	vshra.s32 v0, $0xD;
	v0 =	vshll.u32 v0, $0x3  }
0x81: {  	v11 =	vmul.u32 $0x2493, v10;
	_ =	sdelay $0x1  }
0x82: {  	v12 =	vshra.s32 v11, $0x10;
	v11 =	vand.u32 $0xFFFF0000, v11  }
0x83: {  	v12 =	vmul.u32 $0xFFFFFFF9, v12  }
0x84: {  	v13 =	vor.u32 v4, v9;
	v0 =	vand.u32 $0xFFF8, v0  }
0x85: {  	v0 =	vor.u32 v0, v11;
	v10 =	vadd.s32 v10, v12  }
0x86: {  	v0 =	vadd.s32 v0, v10  }
0x87: {  	[tilespmem:s18+$0x1020] =	vst v0;
	v0 =	vadd.s32 $0x1, v0  }
0x88: {  	[tilespmem:s18+$0x1D20] =	vst v0  }
0x89: {  	v0 =	vld.idx.msk [tilespmem:v13+s2+$0x0], $0xffff;
	_ =	sdelay $0x5  }
0x8a: {  	v10 =	vshra.s32 v0, $0xD;
	v0 =	vshll.u32 v0, $0x3  }
0x8b: {  	v11 =	vmul.u32 $0x2493, v10;
	_ =	sdelay $0x1  }
0x8c: {  	v12 =	vshra.s32 v11, $0x10;
	v11 =	vand.u32 $0xFFFF0000, v11  }
0x8d: {  	v12 =	vmul.u32 $0xFFFFFFF9, v12  }
0x8e: {  	v13 =	vor.u32 v5, v9;
	v0 =	vand.u32 $0xFFF8, v0  }
0x8f: {  	v0 =	vor.u32 v0, v11;
	v10 =	vadd.s32 v10, v12  }
0x90: {  	v0 =	vadd.s32 v0, v10  }
0x91: {  	[tilespmem:s18+$0x1030] =	vst v0;
	v0 =	vadd.s32 $0x1, v0  }
0x92: {  	[tilespmem:s18+$0x1D30] =	vst v0  }
0x93: {  	v0 =	vld.idx.msk [tilespmem:v13+s2+$0x0], $0xffff;
	_ =	sdelay $0x5  }
0x94: {  	v10 =	vshra.s32 v0, $0xD;
	v0 =	vshll.u32 v0, $0x3  }
0x95: {  	v11 =	vmul.u32 $0x2493, v10;
	_ =	sdelay $0x1  }
0x96: {  	v12 =	vshra.s32 v11, $0x10;
	v11 =	vand.u32 $0xFFFF0000, v11  }
0x97: {  	v12 =	vmul.u32 $0xFFFFFFF9, v12  }
0x98: {  	v13 =	vor.u32 v6, v9;
	v0 =	vand.u32 $0xFFF8, v0  }
0x99: {  	v0 =	vor.u32 v0, v11;
	v10 =	vadd.s32 v10, v12  }
0x9a: {  	v0 =	vadd.s32 v0, v10  }
0x9b: {  	[tilespmem:s18+$0x1040] =	vst v0;
	v0 =	vadd.s32 $0x1, v0  }
0x9c: {  	[tilespmem:s18+$0x1D40] =	vst v0  }
0x9d: {  	v0 =	vld.idx.msk [tilespmem:v13+s2+$0x0], $0xffff;
	_ =	sdelay $0x5  }
0x9e: {  	v10 =	vshra.s32 v0, $0xD;
	v0 =	vshll.u32 v0, $0x3  }
0x9f: {  	v11 =	vmul.u32 $0x2493, v10;
	_ =	sdelay $0x1  }
0xa0: {  	v12 =	vshra.s32 v11, $0x10;
	v11 =	vand.u32 $0xFFFF0000, v11  }
0xa1: {  	v12 =	vmul.u32 $0xFFFFFFF9, v12  }
0xa2: {  	v13 =	vor.u32 v7, v9;
	v0 =	vand.u32 $0xFFF8, v0  }
0xa3: {  	v0 =	vor.u32 v0, v11;
	v10 =	vadd.s32 v10, v12  }
0xa4: {  	v0 =	vadd.s32 v0, v10  }
0xa5: {  	[tilespmem:s18+$0x1050] =	vst v0;
	v0 =	vadd.s32 $0x1, v0  }
0xa6: {  	[tilespmem:s18+$0x1D50] =	vst v0  }
0xa7: {  	v0 =	vld.idx.msk [tilespmem:v13+s2+$0x0], $0xffff;
	_ =	sdelay $0x5  }
0xa8: {  	v10 =	vshra.s32 v0, $0xD;
	v0 =	vshll.u32 v0, $0x3  }
0xa9: {  	v11 =	vmul.u32 $0x2493, v10;
	_ =	sdelay $0x1  }
0xaa: {  	v12 =	vshra.s32 v11, $0x10;
	v11 =	vand.u32 $0xFFFF0000, v11  }
0xab: {  	v12 =	vmul.u32 $0xFFFFFFF9, v12  }
0xac: {  	v9 =	vor.u32 v8, v9;
	v0 =	vand.u32 $0xFFF8, v0  }
0xad: {  	v0 =	vor.u32 v0, v11;
	v10 =	vadd.s32 v10, v12  }
0xae: {  	v0 =	vadd.s32 v0, v10  }
0xaf: {  	[tilespmem:s18+$0x1060] =	vst v0;
	v0 =	vadd.s32 $0x1, v0  }
0xb0: {  	[tilespmem:s18+$0x1D60] =	vst v0  }
0xb1: {  	v0 =	vld.idx.msk [tilespmem:v9+s2+$0x0], $0xffff;
	_ =	sdelay $0x5  }
0xb2: {  	v10 =	vshra.s32 v0, $0xD;
	v0 =	vshll.u32 v0, $0x3  }
0xb3: {  	v9 =	vmul.u32 $0x2493, v10;
	_ =	sdelay $0x1  }
0xb4: {  	s15 =	sadd.s32 $0x1, s15;
	v11 =	vshra.s32 v9, $0x10;
	v12 =	vand.u32 $0xFFFF0000, v9  }
0xb5: {  	v9 =	vmov s15;
	v11 =	vmul.u32 $0xFFFFFFF9, v11  }
0xb6: {  	v0 =	vand.u32 $0xFFF8, v0;
	v9 =	vand.u32 $0x1F, v9  }
0xb7: {  	v0 =	vor.u32 v0, v12;
	v9 =	vbroadcast v9, $0x0;
	v10 =	vadd.s32 v10, v11  }
.Ltmp0:
0xb8: {  	v10 =	vadd.s32 v0, v10;
	(pc) =	sbr.rel @p0 .LBB2_2-.Ltmp0, $4  }
0xb9: {  	v0 =	vor.u32 v1, v9;
	[tilespmem:s18+$0x1070] =	vst v10;
	v10 =	vadd.s32 $0x1, v10  }
0xba: {  	s20 =	sadd.s32 $0xFFFFF800, s13;
	s19 =	sadd.s32 $0x1000, s18;
	[tilespmem:s18+$0x1D70] =	vst v10  }
0xbb: {  	[tilespmem:s20], [sflag:$0x1] =	stream.indirect.gather [hbm4b:s3+s8], $0x10, s19, s8, $0xb8;
	[tilespmem:$0x1D600] =	vst v63  }
0xbc: {  	s13 =	sadd.s32 $0x1000, s13;
	s18 =	sadd.s32 $0x1D00, s18  }
0xbd: {  	_ =	sdelay $0x2  }
0xbe: {  	[tilespmem:s17], [sflag:$0x1] =	stream.indirect.gather [hbm4b:s3+s8], $0x10, s18, s8, $0xb8;
	[tilespmem:$0x1D600] =	vst v63  }
0xbf: {  	v0 =	vld.idx.msk [tilespmem:v0+s2+$0x0], $0xffff;
	_ =	sdelay $0x4  }
0xc0: {  	v10 =	vshra.s32 v0, $0xD  }
0xc1: {  	v11 =	vmul.u32 $0x2493, v10;
	_ =	sdelay $0x1  }
0xc2: {  	v12 =	vshra.s32 v11, $0x10  }
0xc3: {  	v0 =	vshll.u32 v0, $0x3;
	v12 =	vmul.u32 $0xFFFFFFF9, v12  }
0xc4: {  	v13 =	vor.u32 v2, v9;
	v0 =	vand.u32 $0xFFF8, v0;
	v11 =	vand.u32 $0xFFFF0000, v11  }
0xc5: {  	v0 =	vor.u32 v0, v11;
	v10 =	vadd.s32 v10, v12  }
0xc6: {  	s14 =	sshra.s32 s14, $0x2;
	v0 =	vadd.s32 v0, v10  }
0xc7: {  	[tilespmem:s14+$0x1000] =	vst v0;
	v0 =	vadd.s32 $0x1, v0  }
0xc8: {  	[tilespmem:s14+$0x1D00] =	vst v0  }
0xc9: {  	v0 =	vld.idx.msk [tilespmem:v13+s2+$0x0], $0xffff;
	_ =	sdelay $0x4  }
0xca: {  	v38 =	vshra.s32 v0, $0xD  }
0xcb: {  	v39 =	vmul.u32 $0x2493, v38;
	_ =	sdelay $0x1  }
0xcc: {  	v40 =	vshra.s32 v39, $0x10  }
0xcd: {  	v0 =	vshll.u32 v0, $0x3;
	v12 =	vmul.u32 $0xFFFFFFF9, v40  }
0xce: {  	v41 =	vor.u32 v3, v9;
	v0 =	vand.u32 $0xFFF8, v0;
	v11 =	vand.u32 $0xFFFF0000, v39  }
0xcf: {  	v0 =	vor.u32 v0, v11;
	v10 =	vadd.s32 v38, v12  }
0xd0: {  	v0 =	vadd.s32 v0, v10  }
0xd1: {  	[tilespmem:s14+$0x1010] =	vst v0;
	v0 =	vadd.s32 $0x1, v0  }
0xd2: {  	[tilespmem:s14+$0x1D10] =	vst v0  }
0xd3: {  	v0 =	vld.idx.msk [tilespmem:v41+s2+$0x0], $0xffff;
	_ =	sdelay $0x4  }
0xd4: {  	v42 =	vshra.s32 v0, $0xD  }
0xd5: {  	v43 =	vmul.u32 $0x2493, v42;
	_ =	sdelay $0x1  }
0xd6: {  	v44 =	vshra.s32 v43, $0x10  }
0xd7: {  	v0 =	vshll.u32 v0, $0x3;
	v12 =	vmul.u32 $0xFFFFFFF9, v44  }
0xd8: {  	v45 =	vor.u32 v4, v9;
	v0 =	vand.u32 $0xFFF8, v0;
	v11 =	vand.u32 $0xFFFF0000, v43  }
0xd9: {  	v0 =	vor.u32 v0, v11;
	v10 =	vadd.s32 v42, v12  }
0xda: {  	v0 =	vadd.s32 v0, v10  }
0xdb: {  	[tilespmem:s14+$0x1020] =	vst v0;
	v0 =	vadd.s32 $0x1, v0  }
0xdc: {  	[tilespmem:s14+$0x1D20] =	vst v0  }
0xdd: {  	v0 =	vld.idx.msk [tilespmem:v45+s2+$0x0], $0xffff;
	_ =	sdelay $0x4  }
0xde: {  	v46 =	vshra.s32 v0, $0xD  }
0xdf: {  	v47 =	vmul.u32 $0x2493, v46;
	_ =	sdelay $0x1  }
0xe0: {  	v48 =	vshra.s32 v47, $0x10  }
0xe1: {  	v0 =	vshll.u32 v0, $0x3;
	v12 =	vmul.u32 $0xFFFFFFF9, v48  }
0xe2: {  	v49 =	vor.u32 v5, v9;
	v0 =	vand.u32 $0xFFF8, v0;
	v11 =	vand.u32 $0xFFFF0000, v47  }
0xe3: {  	v0 =	vor.u32 v0, v11;
	v10 =	vadd.s32 v46, v12  }
0xe4: {  	v0 =	vadd.s32 v0, v10  }
0xe5: {  	[tilespmem:s14+$0x1030] =	vst v0;
	v0 =	vadd.s32 $0x1, v0  }
0xe6: {  	[tilespmem:s14+$0x1D30] =	vst v0  }
0xe7: {  	v0 =	vld.idx.msk [tilespmem:v49+s2+$0x0], $0xffff;
	_ =	sdelay $0x4  }
0xe8: {  	v50 =	vshra.s32 v0, $0xD  }
0xe9: {  	v51 =	vmul.u32 $0x2493, v50;
	_ =	sdelay $0x1  }
0xea: {  	v52 =	vshra.s32 v51, $0x10  }
0xeb: {  	v0 =	vshll.u32 v0, $0x3;
	v12 =	vmul.u32 $0xFFFFFFF9, v52  }
0xec: {  	v53 =	vor.u32 v6, v9;
	v0 =	vand.u32 $0xFFF8, v0;
	v11 =	vand.u32 $0xFFFF0000, v51  }
0xed: {  	v0 =	vor.u32 v0, v11;
	v10 =	vadd.s32 v50, v12  }
0xee: {  	v0 =	vadd.s32 v0, v10  }
0xef: {  	[tilespmem:s14+$0x1040] =	vst v0;
	v0 =	vadd.s32 $0x1, v0  }
0xf0: {  	[tilespmem:s14+$0x1D40] =	vst v0  }
0xf1: {  	v0 =	vld.idx.msk [tilespmem:v53+s2+$0x0], $0xffff;
	_ =	sdelay $0x4  }
0xf2: {  	v54 =	vshra.s32 v0, $0xD  }
0xf3: {  	v55 =	vmul.u32 $0x2493, v54;
	_ =	sdelay $0x1  }
0xf4: {  	v56 =	vshra.s32 v55, $0x10  }
0xf5: {  	v0 =	vshll.u32 v0, $0x3;
	v12 =	vmul.u32 $0xFFFFFFF9, v56  }
0xf6: {  	v57 =	vor.u32 v7, v9;
	v0 =	vand.u32 $0xFFF8, v0;
	v11 =	vand.u32 $0xFFFF0000, v55  }
0xf7: {  	v0 =	vor.u32 v0, v11;
	v10 =	vadd.s32 v54, v12  }
0xf8: {  	v0 =	vadd.s32 v0, v10  }
0xf9: {  	[tilespmem:s14+$0x1050] =	vst v0;
	v0 =	vadd.s32 $0x1, v0  }
0xfa: {  	[tilespmem:s14+$0x1D50] =	vst v0  }
0xfb: {  	v0 =	vld.idx.msk [tilespmem:v57+s2+$0x0], $0xffff;
	_ =	sdelay $0x4  }
0xfc: {  	v58 =	vshra.s32 v0, $0xD  }
0xfd: {  	v59 =	vmul.u32 $0x2493, v58;
	_ =	sdelay $0x1  }
0xfe: {  	v60 =	vshra.s32 v59, $0x10  }
0xff: {  	v0 =	vshll.u32 v0, $0x3;
	v12 =	vmul.u32 $0xFFFFFFF9, v60  }
0x100: {  	v61 =	vor.u32 v8, v9;
	v0 =	vand.u32 $0xFFF8, v0;
	v11 =	vand.u32 $0xFFFF0000, v59  }
0x101: {  	v0 =	vor.u32 v0, v11;
	v10 =	vadd.s32 v58, v12  }
0x102: {  	v0 =	vadd.s32 v0, v10  }
0x103: {  	[tilespmem:s14+$0x1060] =	vst v0;
	v0 =	vadd.s32 $0x1, v0  }
0x104: {  	[tilespmem:s14+$0x1D60] =	vst v0  }
0x105: {  	v0 =	vld.idx.msk [tilespmem:v61+s2+$0x0], $0xffff;
	_ =	sdelay $0x4  }
0x106: {  	v9 =	vshra.s32 v0, $0xD  }
0x107: {  	v62 =	vmul.u32 $0x2493, v9;
	_ =	sdelay $0x1  }
0x108: {  	v63 =	vshra.s32 v62, $0x10  }
0x109: {  	v0 =	vshll.u32 v0, $0x3;
	v11 =	vmul.u32 $0xFFFFFFF9, v63  }
0x10a: {  	v0 =	vand.u32 $0xFFF8, v0;
	v10 =	vand.u32 $0xFFFF0000, v62  }
0x10b: {  	v0 =	vor.u32 v0, v10;
	v9 =	vadd.s32 v9, v11  }
0x10c: {  	v0 =	vadd.s32 v0, v9  }
0x10d: {  	[tilespmem:s14+$0x1070] =	vst v0;
	v0 =	vadd.s32 $0x1, v0  }
0x10e: {  	s16 =	sadd.s32 $0xFFFFF800, s13;
	s15 =	sadd.s32 $0x1000, s14;
	[tilespmem:s14+$0x1D70] =	vst v0  }
0x10f: {  	[tilespmem:s16], [sflag:$0x1] =	stream.indirect.gather [hbm4b:s3+s8], $0x10, s15, s8, $0xb8;
	[tilespmem:$0x1D600] =	vst v63  }
0x110: {  	s14 =	sadd.s32 $0x1D00, s14  }
0x111: {  	[tilespmem:s13], [sflag:$0x1] =	stream.indirect.gather [hbm4b:s3+s8], $0x10, s14, s8, $0xb8;
	[tilespmem:$0x1D600] =	vst v63  }
0x112: {  	_ =	swait.ge [sflag:s9], $0x800  }
0x113: {  	[sflag:s9] =	ssyncset.done $0x0  }
0x114: {  	[sflag:s9] =	ssyncadd.s32 $0xFFFFF800  }
0x115: {  	_ =	swait.ge [sflag:s9], $0x800  }
0x116: {  	s14 =	simm.s32 $0x19;
	[sflag:s9] =	ssyncset.done $0x0  }
.LBB2_4:
0x117: {  	p0 =	sne.s32 s14, $0x1;
	s14 =	sadd.s32 $0xFFFFFFFF, s14;
	[sflag:s9] =	ssyncadd.s32 $0xFFFFF800  }
.Ltmp1:
0x118: {  	_ =	swait.ge [sflag:s9], $0x800;
	(pc) =	sbr.rel @p0 .LBB2_4-.Ltmp1, $4  }
0x119: {  	[sflag:s9] =	ssyncset.done $0x0  }
0x11a: {  	[sflag:s9] =	ssyncadd.s32 $0xFFFFF800  }
0x11b: {  	_ =	swait.ge [sflag:s9], $0x800  }
0x11c: {  	s13 =	simm.s32 $0x0;
	[sflag:s9] =	ssyncset.done $0x0  }
0x11d: {  	[sflag:s9] =	ssyncadd.s32 $0xFFFFF800;
	s14 =	simm.s32 $0x0  }
.LBB2_6:
0x11e: {  	s15 =	sshll.u32 s14, $0x4;
	v0 =	vlaneseq.u32  }
0x11f: {  	v1 =	vor.u32 s15, v0  }
0x120: {  	v0 =	vshll.u32 v1, $0x5;
	_ =	sdelay $0x4  }
0x121: {  	v9 =	vld.idx.msk [tilespmem:v0+s2+$0x0], $0xffff;
	_ =	sdelay $0x4  }
0x122: {  	v9 =	vshra.s32 v9, $0xD  }
0x123: {  	v13 =	vimm.f32 $0.0e+00;
	v48 =	vimm.f32 $0.0e+00;
	v10 =	vmul.u32 $0x2493, v9  }
0x124: {  	v47 =	vimm.f32 $0.0e+00;
	v46 =	vimm.f32 $0.0e+00;
	v45 =	vimm.f32 $0.0e+00  }
0x125: {  	v44 =	vimm.f32 $0.0e+00;
	v42 =	vimm.f32 $0.0e+00;
	v11 =	vshra.s32 v10, $0x10  }
0x126: {  	v43 =	vimm.f32 $0.0e+00;
	v39 =	vimm.f32 $0.0e+00;
	v11 =	vmul.u32 $0xFFFFFFF9, v11  }
0x127: {  	v40 =	vimm.f32 $0.0e+00;
	v41 =	vimm.f32 $0.0e+00;
	v0 =	vor.u32 $0x1, v0  }
0x128: {  	[tilespmem:$0x1FF60] =	vst v0;
	v2 =	vadd.s32 s13, v0;
	v10 =	vshll.u32 v1, $0x4;
	v0 =	vadd.s32 v9, v11  }
0x129: {  	[tilespmem:$0x1FF50] =	vst v1;
	v1 =	vadd.s32 $0x800, v10;
	v9 =	vmov s13;
	v11 =	vadd.s32 $0x4, v0  }
0x12a: {  	v12 =	vadd.s32 $0x8, v0;
	v18 =	vadd.s32 $0x1, v0;
	v21 =	vshll.u32 v0, $0x7  }
0x12b: {  	v20 =	vadd.s32 $0x2, v0;
	v33 =	vshll.u32 v9, $0xC;
	v9 =	vand.u32 $0x7, v0  }
0x12c: {  	v51 =	vadd.s32 $0x5, v0;
	v23 =	vadd.s32 $0xC, v0;
	v24 =	vadd.s32 $0x6, v0  }
0x12d: {  	v26 =	vadd.s32 $0x9, v0;
	v27 =	vadd.s32 $0xF, v0;
	v29 =	vadd.s32 $0xE, v0  }
0x12e: {  	v53 =	vand.u32 $0xF, v0;
	v16 =	vshll.u32 v11, $0x7;
	v17 =	vshll.u32 v12, $0x7  }
0x12f: {  	v22 =	vshll.u32 v18, $0x7;
	v21 =	vand.u32 $0xFFFFF800, v21;
	v12 =	vand.u32 $0x8, v12  }
0x130: {  	v25 =	vshll.u32 v24, $0x7;
	v11 =	vand.u32 $0xF, v11;
	v24 =	vand.u32 $0xF, v24  }
0x131: {  	v28 =	vshll.u32 v27, $0x7;
	v34 =	vshll.u32 v51, $0x7;
	v38 =	vshll.u32 v23, $0x7  }
0x132: {  	v23 =	vand.u32 $0xF, v23;
	v18 =	vand.u32 $0xF, v18;
	v27 =	vand.u32 $0xF, v27  }
0x133: {  	v17 =	vand.u32 $0xFFFFF800, v17;
	v50 =	vadd.s32 v33, v21;
	v21 =	vadd.s32 $0xA, v0  }
0x134: {  	v16 =	vand.u32 $0xFFFFF800, v16;
	v25 =	vand.u32 $0xFFFFF800, v25;
	v38 =	vand.u32 $0xFFFFF800, v38  }
0x135: {  	v17 =	vadd.s32 v33, v17;
	v16 =	vadd.s32 v33, v16;
	v36 =	vadd.s32 v1, v50  }
0x136: {  	v12 =	vor.u32 v12, v17;
	v17 =	vadd.s32 $0xD, v0;
	v11 =	vor.u32 v11, v16  }
0x137: {  	v16 =	vshll.u32 v26, $0x7;
	v26 =	vand.u32 $0xF, v26;
	v9 =	vor.u32 v9, v12  }
0x138: {  	v12 =	vadd.s32 v33, v25;
	v25 =	vadd.s32 $0xB, v0;
	v30 =	vadd.s32 v10, v11  }
0x139: {  	v31 =	vshll.u32 v17, $0x7;
	v11 =	vadd.s32 $0x7, v0;
	v16 =	vand.u32 $0xFFFFF800, v16  }
0x13a: {  	v0 =	vadd.s32 $0x3, v0;
	v17 =	vand.u32 $0xF, v17;
	v9 =	vadd.s32 v10, v9  }
0x13b: {  	v32 =	vand.u32 $0xF, v11;
	v16 =	vadd.s32 v33, v16;
	v12 =	vor.u32 v24, v12  }
0x13c: {  	v24 =	vshll.u32 v29, $0x7;
	v11 =	vshll.u32 v11, $0x7;
	v31 =	vand.u32 $0xFFFFF800, v31  }
0x13d: {  	v35 =	vadd.s32 v10, v12;
	v12 =	vand.u32 $0xFFFFF800, v22;
	v11 =	vand.u32 $0xFFFFF800, v11  }
0x13e: {  	v22 =	vand.u32 $0xF, v25;
	v24 =	vand.u32 $0xFFFFF800, v24;
	v31 =	vadd.s32 v33, v31  }
0x13f: {  	v16 =	vor.u32 v26, v16;
	v26 =	vshll.u32 v21, $0x7;
	v37 =	vadd.s32 v33, v12  }
0x140: {  	v12 =	vshll.u32 v25, $0x7;
	v25 =	vadd.s32 v33, v11;
	v54 =	vadd.s32 v10, v16  }
0x141: {  	v17 =	vor.u32 v17, v31;
	v24 =	vadd.s32 v33, v24;
	v25 =	vor.u32 v32, v25;
	v9 =	vld.idx.msk [tilespmem:v9+s10+$0x0], $0xffff  }
0x142: {  	v31 =	vimm.f32 $0.0e+00;
	v12 =	vand.u32 $0xFFFFF800, v12;
	v25 =	vadd.s32 v10, v25;
	v35 =	vld.idx.msk [tilespmem:v35+s10+$0x0], $0xffff  }
0x143: {  	v61 =	vor.u32 v18, v37;
	v18 =	vand.u32 $0xFFFFF800, v34;
	v37 =	vimm.f32 $0.0e+00  }
0x144: {  	v34 =	vimm.f32 $0.0e+00;
	v32 =	vimm.f32 $0.0e+00;
	v49 =	vadd.s32 v33, v12  }
0x145: {  	v62 =	vadd.s32 v33, v18;
	v22 =	vor.u32 v22, v49;
	v49 =	vimm.f32 $0.0e+00  }
0x146: {  	v59 =	vadd.s32 v10, v22;
	v11 =	vadd.f32 v9, v13;
	v9 =	vmul.f32 v9, v9  }
0x147: {  	v22 =	vadd.s32 v10, v17;
	v60 =	vld.idx.msk [tilespmem:v25+s10+$0x0], $0xffff;
	v25 =	vimm.f32 $0.0e+00;
	v16 =	vadd.f32 v35, v13  }
0x148: {  	v18 =	vmul.f32 v35, v35;
	v12 =	vadd.f32 v9, v13;
	v9 =	vadd.s32 v33, v38  }
0x149: {  	v35 =	vimm.f32 $0.0e+00;
	v38 =	vimm.f32 $0.0e+00;
	v9 =	vor.u32 v23, v9  }
0x14a: {  	v23 =	vand.u32 $0xF, v29;
	v29 =	vld.idx.msk [tilespmem:v30+s10+$0x0], $0xffff;
	v30 =	vimm.f32 $0.0e+00;
	v56 =	vadd.s32 v10, v9  }
0x14b: {  	v9 =	vor.u32 v53, v36;
	v17 =	vor.u32 v23, v24;
	v23 =	vshll.u32 v0, $0x7  }
0x14c: {  	v24 =	vand.u32 $0xFFFFF800, v28;
	v0 =	vand.u32 $0xF, v0;
	v36 =	vimm.f32 $0.0e+00  }
0x14d: {  	v28 =	vimm.f32 $0.0e+00;
	v63 =	vadd.s32 v10, v17;
	v17 =	vadd.f32 v18, v13  }
0x14e: {  	v18 =	vand.u32 $0xFFFFF800, v23;
	v23 =	vand.u32 $0xFFFFF800, v26;
	v24 =	vadd.s32 v33, v24  }
0x14f: {  	v26 =	vadd.s32 v33, v18;
	v57 =	vadd.s32 v33, v23;
	v58 =	vor.u32 v27, v24  }
0x150: {  	v54 =	vld.idx.msk [tilespmem:v54+s10+$0x0], $0xffff;
	v24 =	vimm.f32 $0.0e+00;
	v27 =	vimm.f32 $0.0e+00;
	v23 =	vimm.f32 $0.0e+00  }
0x151: {  	v55 =	vor.u32 v0, v26;
	v26 =	vimm.f32 $0.0e+00;
	v0 =	vld.idx.msk [tilespmem:v22+s10+$0x0], $0xffff;
	v22 =	vimm.f32 $0.0e+00  }
0x152: {  	s15 =	simm.s32 $0x1;
	[tilespmem:$0x1FF70] =	vst v1;
	v18 =	vadd.f32 v29, v13;
	v52 =	vmul.f32 v29, v29;
	v29 =	vimm.f32 $0.0e+00;
	v9 =	vld.idx.msk [tilespmem:v9+s10+$0x0], $0xffff  }
.LBB2_7:
0x153: {  	_ =	sdelay $0x2  }
0x154: {  	v50 =	vor.u32 v53, v50  }
0x155: {  	v7 =	vadd.s32 v10, v61;
	v51 =	vand.u32 $0xF, v51;
	v4 =	vld.idx.msk [tilespmem:v63+s10+$0x0], $0xffff;
	v5 =	vshll.u32 v20, $0x7  }
0x156: {  	v56 =	vld.idx.msk [tilespmem:v56+s10+$0x0], $0xffff;
	v20 =	vand.u32 $0xF, v20;
	v45 =	vadd.f32 v60, v45;
	v21 =	vand.u32 $0xF, v21  }
0x157: {  	s16 =	smov.u32 s15;
	v59 =	vld.idx.msk [tilespmem:v59+s10+$0x0], $0xffff;
	v55 =	vadd.s32 v10, v55;
	v50 =	vadd.s32 v10, v50;
	v51 =	vor.u32 v51, v62  }
0x158: {  	v1 =	vld [tilespmem:$0x1FF60];
	v63 =	vand.u32 $0xFFFFF800, v5;
	v53 =	vmov s16;
	v21 =	vor.u32 v21, v57  }
0x159: {  	v34 =	vadd.f32 v52, v34;
	v51 =	vadd.s32 v10, v51;
	v21 =	vadd.s32 v10, v21  }
0x15a: {  	v13 =	vadd.f32 v9, v13;
	v9 =	vmul.f32 v60, v60;
	v6 =	vmul.f32 v54, v54  }
0x15b: {  	v19 =	vld.idx.msk [tilespmem:v2+s2+$0x0], $0xffff;
	v47 =	vadd.f32 v0, v47;
	v0 =	vmul.f32 v0, v0;
	v36 =	vadd.f32 v54, v36  }
0x15c: {  	v7 =	vld.idx.msk [tilespmem:v7+s10+$0x0], $0xffff;
	v46 =	vadd.f32 v4, v46;
	v42 =	vadd.f32 v56, v42;
	v60 =	vmul.f32 v56, v56  }
0x15d: {  	v38 =	vadd.f32 v59, v38;
	v61 =	vmul.f32 v59, v59;
	v1 =	vadd.s32 s16, v1;
	v55 =	vld.idx.msk [tilespmem:v55+s10+$0x0], $0xffff  }
0x15e: {  	v49 =	vadd.f32 v9, v49;
	v9 =	vadd.s32 v33, v63;
	v48 =	vadd.f32 v6, v48;
	v50 =	vld.idx.msk [tilespmem:v50+s10+$0x0], $0xffff  }
0x15f: {  	v44 =	vadd.f32 v0, v44;
	v9 =	vor.u32 v20, v9;
	v20 =	vmul.f32 v4, v4;
	v0 =	vld.idx.msk [tilespmem:v51+s10+$0x0], $0xffff  }
0x160: {  	v63 =	vadd.s32 v10, v58;
	v33 =	vshll.u32 v53, $0xC;
	v39 =	vadd.f32 v60, v39  }
0x161: {  	v40 =	vadd.f32 v61, v40;
	v43 =	vadd.f32 v20, v43;
	v20 =	vshra.s32 v19, $0xD  }
0x162: {  	v62 =	vmul.u32 $0x2493, v20;
	v58 =	vmul.f32 v7, v7;
	v41 =	vadd.f32 v7, v41;
	v7 =	vld.idx.msk [tilespmem:v21+s10+$0x0], $0xffff  }
0x163: {  	v25 =	vadd.f32 v55, v25;
	v55 =	vmul.f32 v55, v55;
	v59 =	vmul.f32 v50, v50  }
0x164: {  	v28 =	vadd.f32 v50, v28;
	v56 =	vshra.s32 v62, $0x10;
	v4 =	vmul.f32 v0, v0  }
0x165: {  	v37 =	vadd.f32 v0, v37;
	v29 =	vadd.f32 v58, v29;
	v56 =	vmul.u32 $0xFFFFFFF9, v56  }
0x166: {  	v9 =	vadd.s32 v10, v9;
	v22 =	vadd.f32 v55, v22;
	v30 =	vadd.f32 v59, v30  }
0x167: {  	v35 =	vadd.f32 v4, v35;
	v54 =	vadd.s32 v20, v56;
	v2 =	vmul.f32 v7, v7  }
0x168: {  	v24 =	vadd.f32 v7, v24;
	v0 =	vadd.s32 $0x4, v54;
	v52 =	vadd.s32 $0x8, v54  }
0x169: {  	v6 =	vshll.u32 v54, $0x7;
	v60 =	vadd.s32 $0x1, v54;
	v20 =	vadd.s32 $0x2, v54  }
0x16a: {  	v4 =	vand.u32 $0x7, v54;
	v51 =	vadd.s32 $0x5, v54;
	v59 =	vadd.s32 $0xC, v54  }
0x16b: {  	v53 =	vadd.s32 $0xB, v54;
	v7 =	vadd.s32 $0x9, v54;
	v3 =	vadd.s32 $0xF, v54  }
0x16c: {  	v9 =	vld.idx.msk [tilespmem:v9+s10+$0x0], $0xffff;
	v55 =	vadd.s32 $0x7, v54;
	v15 =	vadd.s32 $0x3, v54;
	v57 =	vshll.u32 v0, $0x7  }
0x16d: {  	v5 =	vshll.u32 v52, $0x7;
	v61 =	vshll.u32 v60, $0x7;
	v21 =	vand.u32 $0xFFFFF800, v6  }
0x16e: {  	v6 =	vadd.s32 $0x6, v54;
	v52 =	vand.u32 $0x8, v52;
	v27 =	vadd.f32 v2, v27  }
0x16f: {  	v0 =	vand.u32 $0xF, v0;
	v2 =	vshll.u32 v3, $0x7;
	v58 =	vand.u32 $0xF, v7  }
0x170: {  	v8 =	vshll.u32 v53, $0x7;
	v14 =	vshll.u32 v59, $0x7;
	v3 =	vand.u32 $0xF, v3  }
0x171: {  	v56 =	vld.idx.msk [tilespmem:v63+s10+$0x0], $0xffff;
	v26 =	vadd.f32 v9, v26;
	v63 =	vand.u32 $0xFFFFF800, v5;
	v9 =	vmul.f32 v9, v9  }
0x172: {  	v50 =	vadd.s32 v33, v21;
	v21 =	vadd.s32 $0xA, v54;
	v57 =	vand.u32 $0xFFFFF800, v57  }
0x173: {  	[tilespmem:$0x1FF40] =	vst v1;
	v1 =	vshll.u32 v6, $0x7;
	v61 =	vand.u32 $0xFFFFF800, v61;
	v8 =	vand.u32 $0xFFFFF800, v8  }
0x174: {  	v14 =	vand.u32 $0xFFFFF800, v14;
	v2 =	vand.u32 $0xFFFFF800, v2;
	v5 =	vadd.s32 v33, v63  }
0x175: {  	v63 =	vadd.s32 $0xD, v54;
	v1 =	vand.u32 $0xFFFFF800, v1;
	v61 =	vadd.s32 v33, v61  }
0x176: {  	v8 =	vadd.s32 v33, v8;
	v14 =	vadd.s32 v33, v14;
	v19 =	vshll.u32 v21, $0x7  }
0x177: {  	v2 =	vadd.s32 v33, v2;
	v31 =	vadd.f32 v9, v31;
	v9 =	vadd.s32 v33, v57  }
0x178: {  	v32 =	vadd.f32 v56, v32;
	v56 =	vmul.f32 v56, v56;
	v1 =	vadd.s32 v33, v1  }
0x179: {  	v52 =	vor.u32 v52, v5;
	v57 =	vand.u32 $0xF, v6;
	v62 =	vshll.u32 v63, $0x7  }
0x17a: {  	v5 =	vshll.u32 v51, $0x7;
	v52 =	vor.u32 v4, v52;
	v0 =	vor.u32 v0, v9  }
0x17b: {  	v9 =	vshll.u32 v7, $0x7;
	v4 =	vand.u32 $0xF, v55;
	v52 =	vadd.s32 v10, v52  }
0x17c: {  	v1 =	vor.u32 v57, v1;
	v55 =	vshll.u32 v55, $0x7;
	v7 =	vand.u32 $0xF, v53  }
0x17d: {  	v53 =	vand.u32 $0xF, v54;
	v5 =	vand.u32 $0xFFFFF800, v5;
	v1 =	vadd.s32 v10, v1  }
0x17e: {  	v6 =	vld [tilespmem:$0x1FF70];
	v23 =	vadd.f32 v56, v23;
	v56 =	vadd.s32 $0xE, v54;
	v55 =	vand.u32 $0xFFFFF800, v55  }
0x17f: {  	v0 =	vadd.s32 v10, v0;
	v9 =	vand.u32 $0xFFFFF800, v9;
	v55 =	vadd.s32 v33, v55  }
0x180: {  	v54 =	vand.u32 $0xF, v63;
	v63 =	vand.u32 $0xF, v60;
	v4 =	vor.u32 v4, v55;
	v52 =	vld.idx.msk [tilespmem:v52+s10+$0x0], $0xffff  }
0x181: {  	v7 =	vor.u32 v7, v8;
	v57 =	vshll.u32 v56, $0x7;
	v4 =	vadd.s32 v10, v4  }
0x182: {  	v9 =	vadd.s32 v33, v9;
	v61 =	vor.u32 v63, v61;
	v57 =	vand.u32 $0xFFFFF800, v57;
	v1 =	vld.idx.msk [tilespmem:v1+s10+$0x0], $0xffff  }
0x183: {  	v55 =	vand.u32 $0xFFFFF800, v62;
	v62 =	vand.u32 $0xF, v59;
	v6 =	vadd.s32 v6, v50  }
0x184: {  	v9 =	vor.u32 v58, v9;
	v55 =	vadd.s32 v33, v55;
	v6 =	vor.u32 v53, v6  }
0x185: {  	v8 =	vor.u32 v54, v55;
	v0 =	vld.idx.msk [tilespmem:v0+s10+$0x0], $0xffff;
	v11 =	vadd.f32 v52, v11;
	v52 =	vmul.f32 v52, v52  }
0x186: {  	v59 =	vadd.s32 v10, v7;
	v14 =	vor.u32 v62, v14;
	v60 =	vld.idx.msk [tilespmem:v4+s10+$0x0], $0xffff;
	v4 =	vadd.s32 v10, v8  }
0x187: {  	v16 =	vadd.f32 v1, v16;
	v1 =	vmul.f32 v1, v1;
	v12 =	vadd.f32 v52, v12  }
0x188: {  	p0 =	sne.s32 s15, $0x19;
	v52 =	vand.u32 $0xF, v56;
	v56 =	vadd.s32 v10, v14;
	v14 =	vadd.s32 v10, v9  }
.Ltmp2:
0x189: {  	v58 =	vand.u32 $0xF, v15;
	v55 =	vshll.u32 v15, $0x7;
	v9 =	vadd.s32 v33, v57;
	(pc) =	sbr.rel @p0 .LBB2_7-.Ltmp2, $4  }
0x18a: {  	v17 =	vadd.f32 v1, v17;
	v1 =	vand.u32 $0xFFFFF800, v55;
	v54 =	vor.u32 v52, v9;
	v9 =	vld.idx.msk [tilespmem:v6+s10+$0x0], $0xffff  }
0x18b: {  	v18 =	vadd.f32 v0, v18;
	v1 =	vadd.s32 v33, v1;
	v52 =	vmul.f32 v0, v0;
	v0 =	vld.idx.msk [tilespmem:v4+s10+$0x0], $0xffff  }
0x18c: {  	v57 =	vand.u32 $0xFFFFF800, v19;
	v55 =	vor.u32 v58, v1;
	v58 =	vor.u32 v3, v2;
	v2 =	vld [tilespmem:$0x1FF40]  }
0x18d: {  	s15 =	sadd.s32 $0x1, s15;
	v62 =	vadd.s32 v33, v5;
	v57 =	vadd.s32 v33, v57;
	v63 =	vadd.s32 v10, v54;
	v54 =	vld.idx.msk [tilespmem:v14+s10+$0x0], $0xffff  }
0x18e: {  	v1 =	vor.u32 v53, v50;
	v2 =	vand.u32 $0xF, v51  }
0x18f: {  	v3 =	vadd.s32 v10, v61;
	v4 =	vshll.u32 v20, $0x7;
	v6 =	vmul.f32 v60, v60  }
0x190: {  	v7 =	vand.u32 $0xF, v20;
	v14 =	vand.u32 $0xF, v21;
	v45 =	vadd.f32 v60, v45  }
0x191: {  	v34 =	vadd.f32 v52, v34;
	v18 =	vmul.f32 v18, v18;
	v16 =	vmul.f32 v16, v16  }
0x192: {  	v11 =	vmul.f32 v11, v11;
	v2 =	vor.u32 v2, v62;
	v1 =	vadd.s32 v10, v1  }
0x193: {  	v5 =	vld.idx.msk [tilespmem:v63+s10+$0x0], $0xffff;
	v4 =	vand.u32 $0xFFFFF800, v4;
	v8 =	vadd.f32 v9, v13;
	v14 =	vor.u32 v14, v57  }
0x194: {  	v2 =	vadd.s32 v10, v2;
	v4 =	vadd.s32 v33, v4;
	v6 =	vadd.f32 v6, v49  }
0x195: {  	v15 =	vadd.f32 v0, v47;
	v33 =	vmul.f32 v0, v0;
	v14 =	vadd.s32 v10, v14  }
0x196: {  	v61 =	vld.idx.msk [tilespmem:v56+s10+$0x0], $0xffff;
	v18 =	vsub.f32 v18, v34;
	v20 =	vmul.f32 v45, v45;
	v16 =	vsub.f32 v16, v17  }
0x197: {  	v63 =	vld.idx.msk [tilespmem:v59+s10+$0x0], $0xffff;
	v11 =	vsub.f32 v11, v12;
	v4 =	vor.u32 v7, v4;
	v62 =	vmul.f32 v54, v54  }
0x198: {  	v4 =	vadd.s32 v10, v4;
	v3 =	vld.idx.msk [tilespmem:v3+s10+$0x0], $0xffff;
	v19 =	vadd.f32 v5, v46;
	v46 =	vadd.s32 v10, v58  }
0x199: {  	v0 =	vadd.f32 v33, v44;
	v18 =	vmul.f32 $5.000000000e-01, v18;
	v16 =	vmul.f32 $5.000000000e-01, v16;
	v1 =	vld.idx.msk [tilespmem:v1+s10+$0x0], $0xffff  }
0x19a: {  	v36 =	vadd.f32 v54, v36;
	v44 =	vmul.f32 $5.000000000e-01, v11;
	v52 =	vmul.f32 v15, v15;
	v2 =	vld.idx.msk [tilespmem:v2+s10+$0x0], $0xffff  }
0x19b: {  	v6 =	vsub.f32 v20, v6;
	v5 =	vmul.f32 v5, v5;
	v47 =	vmul.f32 v61, v61;
	v14 =	vld.idx.msk [tilespmem:v14+s10+$0x0], $0xffff  }
0x19c: {  	v9 =	vadd.f32 v61, v42;
	v13 =	vadd.f32 v62, v48;
	v48 =	vadd.s32 v10, v55  }
0x19d: {  	v49 =	vmul.f32 v63, v63;
	v7 =	vadd.f32 v63, v38;
	v6 =	vmul.f32 $5.000000000e-01, v6;
	v21 =	vld.idx.msk [tilespmem:v46+s10+$0x0], $0xffff  }
0x19e: {  	v0 =	vsub.f32 v52, v0;
	v4 =	vld.idx.msk [tilespmem:v4+s10+$0x0], $0xffff;
	v51 =	vadd.f32 v3, v41;
	v3 =	vmul.f32 v3, v3  }
0x19f: {  	v62 =	vld [tilespmem:$0x1FF50];
	v54 =	vmul.f32 v1, v1;
	v1 =	vadd.f32 v1, v28;
	v53 =	vmul.f32 v2, v2  }
0x1a0: {  	v2 =	vadd.f32 v2, v37;
	v3 =	vadd.f32 v3, v29;
	v57 =	vmul.f32 v14, v14  }
0x1a1: {  	v10 =	vld.idx.msk [tilespmem:v48+s10+$0x0], $0xffff;
	v14 =	vadd.f32 v14, v24;
	v61 =	vmul.f32 v51, v51;
	v56 =	vadd.f32 v54, v30  }
0x1a2: {  	v1 =	vmul.f32 v1, v1;
	v58 =	vadd.f32 v21, v32;
	v21 =	vmul.f32 v21, v21  }
0x1a3: {  	v35 =	vadd.f32 v53, v35;
	v55 =	vmul.f32 v4, v4;
	v4 =	vadd.f32 v4, v26  }
0x1a4: {  	v3 =	vsub.f32 v61, v3;
	v21 =	vadd.f32 v21, v23;
	v23 =	vmul.u32 $0x18, v62  }
0x1a5: {  	v2 =	vmul.f32 v2, v2;
	v1 =	vsub.f32 v1, v56;
	v28 =	vadd.f32 v55, v31  }
0x1a6: {  	v59 =	vadd.f32 v10, v25;
	v10 =	vmul.f32 v10, v10;
	v63 =	vor.u32 $0x1, v23  }
0x1a7: {  	v4 =	vmul.f32 v4, v4;
	v3 =	vmul.f32 $5.000000000e-01, v3;
	v31 =	vor.u32 $0x2, v23  }
0x1a8: {  	v10 =	vadd.f32 v10, v22;
	v24 =	vmul.f32 v59, v59;
	v32 =	vor.u32 $0x3, v23  }
0x1a9: {  	v1 =	vmul.f32 $5.000000000e-01, v1;
	v4 =	vsub.f32 v4, v28;
	v34 =	vor.u32 $0x4, v23  }
0x1aa: {  	v2 =	vsub.f32 v2, v35;
	v35 =	vor.u32 $0x5, v23;
	v10 =	vsub.f32 v24, v10;
	[tilespmem:v23+s11+$0x0] =	vst.idx.msk $0xffff, v8  }
0x1ab: {  	v5 =	vadd.f32 v5, v43;
	v37 =	vor.u32 $0x6, v23;
	v4 =	vmul.f32 $5.000000000e-01, v4;
	[tilespmem:v63+s11+$0x0] =	vst.idx.msk $0xffff, v1  }
0x1ac: {  	v33 =	vadd.f32 v47, v39;
	v39 =	vor.u32 $0x7, v23;
	v10 =	vmul.f32 $5.000000000e-01, v10;
	[tilespmem:v31+s11+$0x0] =	vst.idx.msk $0xffff, v3  }
0x1ad: {  	v50 =	vadd.f32 v49, v40;
	v40 =	vmul.f32 v36, v36;
	v41 =	vadd.s32 $0x8, v23;
	[tilespmem:v32+s11+$0x0] =	vst.idx.msk $0xffff, v4  }
0x1ae: {  	v7 =	vmul.f32 v7, v7;
	v2 =	vmul.f32 $5.000000000e-01, v2;
	v43 =	vadd.s32 $0x9, v23;
	[tilespmem:v34+s11+$0x0] =	vst.idx.msk $0xffff, v10  }
0x1af: {  	v60 =	vadd.f32 v57, v27;
	v42 =	vmul.f32 v14, v14;
	v45 =	vadd.s32 $0xA, v23;
	[tilespmem:v35+s11+$0x0] =	vst.idx.msk $0xffff, v18  }
0x1b0: {  	v9 =	vmul.f32 v9, v9;
	v13 =	vsub.f32 v40, v13;
	v47 =	vadd.s32 $0xB, v23;
	[tilespmem:v37+s11+$0x0] =	vst.idx.msk $0xffff, v2  }
0x1b1: {  	v7 =	vsub.f32 v7, v50;
	v12 =	vsub.f32 v42, v60;
	v49 =	vadd.s32 $0xC, v23;
	[tilespmem:v39+s11+$0x0] =	vst.idx.msk $0xffff, v16  }
0x1b2: {  	v46 =	vmul.f32 $5.000000000e-01, v13;
	v53 =	vsub.f32 v9, v33;
	v51 =	vadd.s32 $0xD, v23;
	[tilespmem:v41+s11+$0x0] =	vst.idx.msk $0xffff, v6  }
0x1b3: {  	v55 =	vmul.f32 v19, v19;
	v48 =	vmul.f32 $5.000000000e-01, v12;
	v54 =	vadd.s32 $0xE, v23;
	[tilespmem:v43+s11+$0x0] =	vst.idx.msk $0xffff, v44  }
0x1b4: {  	s14 =	sadd.s32 $0x1, s14;
	v50 =	vmul.f32 $5.000000000e-01, v7;
	v57 =	vmul.f32 v58, v58;
	v56 =	vadd.s32 $0xF, v23;
	[tilespmem:v45+s11+$0x0] =	vst.idx.msk $0xffff, v46  }
0x1b5: {  	p0 =	sne.s32 s14, $0x8;
	v58 =	vmul.f32 $5.000000000e-01, v53;
	v59 =	vsub.f32 v55, v5;
	v60 =	vadd.s32 $0x10, v23;
	[tilespmem:v47+s11+$0x0] =	vst.idx.msk $0xffff, v48  }
.Ltmp3:
0x1b6: {  	v0 =	vmul.f32 $5.000000000e-01, v0;
	v61 =	vsub.f32 v57, v21;
	[tilespmem:v49+s11+$0x0] =	vst.idx.msk $0xffff, v50;
	(pc) =	sbr.rel @p0 .LBB2_6-.Ltmp3, $4  }
0x1b7: {  	v62 =	vmul.f32 $5.000000000e-01, v59;
	[tilespmem:v51+s11+$0x0] =	vst.idx.msk $0xffff, v58  }
0x1b8: {  	v63 =	vmul.f32 $5.000000000e-01, v61;
	[tilespmem:v54+s11+$0x0] =	vst.idx.msk $0xffff, v0  }
0x1b9: {  	[tilespmem:v56+s11+$0x0] =	vst.idx.msk $0xffff, v62  }
0x1ba: {  	[tilespmem:v60+s11+$0x0] =	vst.idx.msk $0xffff, v63  }
0x1bb: {  	[hbm4b:s5+s2] =	stream.linear.scatter [tilespmem:s11], [sflag:$0x2], $0xC00, $0x38;
	[tilespmem:$0x1D600] =	vst v63  }
0x1bc: {  	_ =	swait.ge [sflag:s7], $0xC00  }
0x1bd: {  	v1 =	vld [tilespmem:$0x1FF80]  }
0x1be: {  	s12 =	sadd.s32 $0x1, s12;
	v2 =	vld [tilespmem:$0x1FF90]  }
0x1bf: {  	p0 =	sne.s32 s12, s6;
	v3 =	vld [tilespmem:$0x1FFA0]  }
.Ltmp4:
0x1c0: {  	v4 =	vld [tilespmem:$0x1FFB0];
	(pc) =	sbr.rel @p0 .LBB2_1-.Ltmp4, $4  }
0x1c1: {  	v5 =	vld [tilespmem:$0x1FFC0]  }
0x1c2: {  	v6 =	vld [tilespmem:$0x1FFD0]  }
0x1c3: {  	[sflag:s7] =	ssyncset.done $0x0;
	v7 =	vld [tilespmem:$0x1FFE0]  }
0x1c4: {  	v8 =	vld [tilespmem:$0x1FFF0];
	[sflag:s7] =	ssyncadd.s32 $0xFFFFF400  }
0x1c5: {  	_ =	sfence.sel $0x180000  }
0x1c6: {  	[bflag:$0x0] =	sbarrier.arrive $0xFFFF  }
0x1c7: {  	p0 =	sne.s32 s1, $0x0;
	_ =	strace $0x90000047  }
0x1c8: {  	s0 =	sadd.s32 @!p0 $0x100000, s0;
	[bflag:$0x2] =	sbarrier.arrive $0xFFFF  }
0x1c9: {  	[sflag:s0] =	ssyncadd.tile.s32 @!p0 $0x1;
	_ =	shalt  }
.Lfunc_end2:
_tile_overlayer_lowered:
.L_overlay_start_2:
0x1ca: {  	(tag) =	ssettag $0x2  }
0x1cb: {  	s0 =	rddreg [dreg:$0x0];
	s2 =	stileid.u32  }
0x1cc: {  	s1 =	rddreg [dreg:$0x1];
	p0 =	sne.s32 s2, $0x0  }
0x1cd: {  	s3 =	rddreg [dreg:$0x2];
	[bflag:$0x3] =	sbarrier.arrive $0xFFFF;
	s2 =	simm.s32 @!p0 $0x1C02  }
0x1ce: {  	[timem:s3], [sflag:s2] =	dma.local @!p0 [hbm:s0], s1  }
0x1cf: {  	s0 =	simm.s32 @!p0 $0x2  }
0x1d0: {  	_ =	swait.ge @!p0 [sflag:s0], s1  }
0x1d1: {  	s1 =	ssub.s32 @!p0 $0x0, s1;
	[sflag:s0] =	ssyncset.done @!p0 $0x0  }
0x1d2: {  	[sflag:s0] =	ssyncadd.s32 @!p0 s1  }
0x1d3: {  	[bflag:$0x3] =	sbarrier.arrive $0xFFFF  }
0x1d4: {  	_ =	shalt  }

</sc_bundles>
